<compile_context>
chip_gen: v7x
topology: tpu7x:2x2x1
jax: 0.10.2.dev20260603
libtpu: 0.0.44.dev20260713+nightly
codegen_flags: <defaults>
</compile_context>

<pallas_src>
import jax
import jax.numpy as jnp
from jax import lax
from jax.experimental import pallas as pl
from jax.experimental.pallas import tpu as pltpu
from jax.experimental.pallas import tpu_sc as plsc

_C = 128
_NUM_WORKERS = 32


def _sc_edge_segment_sum(mhat, src3, dst3, zrows, n_pad, n_chunks):
  D = mhat.shape[1]
  rows_per_sub = n_pad // 16

  def body(h_hbm, src_hbm, dst_hbm, z_hbm, out_hbm,
           idx_s, idx_d, rows0, acc, sem0):
    c = lax.axis_index("c")
    s = lax.axis_index("s")
    w = s * 2 + c
    pltpu.sync_copy(src_hbm.at[w], idx_s)
    pltpu.sync_copy(dst_hbm.at[w], idx_d)
    pltpu.sync_copy(z_hbm, acc.at[pl.ds(s * rows_per_sub, rows_per_sub)])
    plsc.subcore_barrier()

    def chunk_body(j, _):
      pltpu.async_copy(h_hbm.at[idx_s.at[j]], rows0, sem0).wait()
      pltpu.sync_copy(rows0, acc.at[idx_d.at[j]], add=True)
      return 0

    lax.fori_loop(0, n_chunks, chunk_body, 0, unroll=False)
    plsc.subcore_barrier()
    pltpu.sync_copy(acc.at[pl.ds(s * rows_per_sub, rows_per_sub)],
                    out_hbm.at[c, pl.ds(s * rows_per_sub, rows_per_sub)])

  mesh = plsc.VectorSubcoreMesh(core_axis_name="c", subcore_axis_name="s")
  f = pl.kernel(
      body,
      out_type=jax.ShapeDtypeStruct((2, n_pad, D), jnp.float32),
      mesh=mesh,
      scratch_types=[
          pltpu.VMEM((n_chunks, _C), jnp.int32),
          pltpu.VMEM((n_chunks, _C), jnp.int32),
          pltpu.VMEM((_C, D), jnp.float32),
          pltpu.VMEM_SHARED((n_pad, D), jnp.float32),
          pltpu.SemaphoreType.DMA,
      ],
  )
  return f(mhat, src3, dst3, zrows)


def _tc_matmul(x, W):
  NP, D = x.shape
  BN = 1024

  def body(x_ref, w_ref, o_ref):
    o_ref[...] = jnp.dot(x_ref[...], w_ref[...],
                         preferred_element_type=jnp.float32)

  return pl.pallas_call(
      body,
      grid=(NP // BN,),
      in_specs=[
          pl.BlockSpec((BN, D), lambda i: (i, 0)),
          pl.BlockSpec((D, D), lambda i: (0, 0)),
      ],
      out_specs=pl.BlockSpec((BN, D), lambda i: (i, 0)),
      out_shape=jax.ShapeDtypeStruct((NP, D), jnp.float32),
  )(x, W)


def _tc_relu_matmul(p2, b_prev, W):
  _, NP, D = p2.shape
  BN = 1024

  def body(p_ref, b_ref, w_ref, o_ref):
    h = jnp.maximum(p_ref[0] + p_ref[1] + b_ref[...], 0.0)
    o_ref[...] = jnp.dot(h, w_ref[...], preferred_element_type=jnp.float32)

  return pl.pallas_call(
      body,
      grid=(NP // BN,),
      in_specs=[
          pl.BlockSpec((2, BN, D), lambda i: (0, i, 0)),
          pl.BlockSpec((1, D), lambda i: (0, 0)),
          pl.BlockSpec((D, D), lambda i: (0, 0)),
      ],
      out_specs=pl.BlockSpec((BN, D), lambda i: (i, 0)),
      out_shape=jax.ShapeDtypeStruct((NP, D), jnp.float32),
  )(p2, b_prev.reshape(1, D), W)


def _tc_pool(p2, b1, Wp, bp, gid3, G):
  _, NP, D = p2.shape
  BN = 1024

  def body(p_ref, b1_ref, wp_ref, bp_ref, g_ref, o_ref):
    i = pl.program_id(0)
    h2 = jnp.maximum(p_ref[0] + p_ref[1] + b1_ref[...], 0.0)
    gr = jnp.dot(h2, wp_ref[...], preferred_element_type=jnp.float32) + bp_ref[...]
    gid = g_ref[...].reshape(BN)
    onehot_t = (lax.broadcasted_iota(jnp.int32, (G, BN), 0)
                == gid[None, :]).astype(jnp.float32)
    part = jnp.dot(onehot_t, gr, preferred_element_type=jnp.float32,
                   precision=lax.Precision.HIGHEST)

    @pl.when(i == 0)
    def _():
      o_ref[...] = jnp.zeros_like(o_ref)

    o_ref[...] += part

  return pl.pallas_call(
      body,
      grid=(NP // BN,),
      in_specs=[
          pl.BlockSpec((2, BN, D), lambda i: (0, i, 0)),
          pl.BlockSpec((1, D), lambda i: (0, 0)),
          pl.BlockSpec((D, D), lambda i: (0, 0)),
          pl.BlockSpec((1, D), lambda i: (0, 0)),
          pl.BlockSpec((1, 8, BN // 8), lambda i: (i, 0, 0)),
      ],
      out_specs=pl.BlockSpec((G, D), lambda i: (0, 0)),
      out_shape=jax.ShapeDtypeStruct((G, D), jnp.float32),
  )(p2, b1.reshape(1, D), Wp, bp.reshape(1, D), gid3)


def _tc_head(hGs, W_fan1, b_fan1, W_fan2, b_fan2,
             W_finit1, b_finit1, W_finit2, b_finit2):
  G, D = hGs.shape
  K2 = W_fan2.shape[1]

  def body(hg, wf1, bf1, wf2, bf2, wi1, bi1, wi2, bi2, p_out, hv_out):
    h = hg[...]
    fan_h = jax.nn.sigmoid(
        jnp.dot(h, wf1[...], preferred_element_type=jnp.float32) + bf1[...])
    logits = jnp.dot(fan_h, wf2[...], preferred_element_type=jnp.float32) + bf2[...]
    m = jnp.max(logits, axis=1, keepdims=True)
    e = jnp.exp(logits - m)
    p_out[...] = e / jnp.sum(e, axis=1, keepdims=True)
    fin_h = jax.nn.sigmoid(
        jnp.dot(h, wi1[...], preferred_element_type=jnp.float32) + bi1[...])
    hv_out[...] = jnp.dot(fin_h, wi2[...], preferred_element_type=jnp.float32) + bi2[...]

  return pl.pallas_call(
      body,
      out_shape=(jax.ShapeDtypeStruct((G, K2), jnp.float32),
                 jax.ShapeDtypeStruct((G, D), jnp.float32)),
  )(hGs, W_fan1, b_fan1.reshape(1, D), W_fan2, b_fan2.reshape(1, K2),
    W_finit1, b_finit1.reshape(1, D), W_finit2, b_finit2.reshape(1, D))


def kernel(x, edge_index, graph_ids, W_gcn, b_gcn, W_proj, b_proj,
           W_fan1, b_fan1, W_fan2, b_fan2, W_finit1, b_finit1,
           W_finit2, b_finit2):
  N, D = x.shape
  E = edge_index.shape[1]
  G = 64

  BN = 1024
  n_pad = ((N + BN - 1) // BN) * BN
  ew = -(-E // _NUM_WORKERS)
  n_chunks = -(-ew // _C)
  e_pad = _NUM_WORKERS * n_chunks * _C

  src = edge_index[0]
  dst = edge_index[1]
  pad = e_pad - E
  src_p = jnp.concatenate([src, jnp.zeros((pad,), jnp.int32)])
  dst_p = jnp.concatenate([dst, jnp.full((pad,), N, jnp.int32)])
  src3 = src_p.reshape(_NUM_WORKERS, n_chunks, _C)
  dst3 = dst_p.reshape(_NUM_WORKERS, n_chunks, _C)
  zrows = jnp.zeros((n_pad // 16, D), jnp.float32)

  gid_p = jnp.concatenate([graph_ids, jnp.full((n_pad - N,), G, jnp.int32)])
  gid3 = gid_p.reshape(n_pad // BN, 8, BN // 8)

  x_p = jnp.concatenate([x, jnp.zeros((n_pad - N, D), jnp.float32)])

  m0 = _tc_matmul(x_p, W_gcn[0])
  p0 = _sc_edge_segment_sum(m0, src3, dst3, zrows, n_pad, n_chunks)
  m1 = _tc_relu_matmul(p0, b_gcn[0], W_gcn[1])
  p1 = _sc_edge_segment_sum(m1, src3, dst3, zrows, n_pad, n_chunks)
  hGs = _tc_pool(p1, b_gcn[1], W_proj, b_proj, gid3, G)
  p, hvs = _tc_head(hGs, W_fan1, b_fan1, W_fan2, b_fan2,
                    W_finit1, b_finit1, W_finit2, b_finit2)
  return jnp.concatenate([p, hvs], axis=1)

# --- scband reference (transcript-rebuilt; emitter-appended) ---
"""Pipeline reference for scband-dgmg-62208306315835 (READ-ONLY COPY).

The authoritative reference and input builder live on the scoring server;
editing this copy changes nothing except your own understanding.
"""

import jax, jax.numpy as jnp
import numpy as np

N = 10000
E = 320000
D = 128
G = 64
T = 2

def setup_inputs(seed: int = 0) -> dict:
    key = jax.random.key(seed)
    ks = jax.random.split(key, 16)
    x = jax.random.normal(ks[0], (N, D), dtype=jnp.float32)
    edge_index = jax.random.randint(ks[1], (2, E), 0, N, dtype=jnp.int32)
    graph_ids = jnp.sort(jax.random.randint(ks[2], (N,), 0, G, dtype=jnp.int32))
    s = 0.05
    W_gcn = jax.random.normal(ks[3], (T, D, D), dtype=jnp.float32) * s
    b_gcn = jnp.zeros((T, D), dtype=jnp.float32)
    W_proj = jax.random.normal(ks[4], (D, D), dtype=jnp.float32) * s
    b_proj = jnp.zeros((D,), dtype=jnp.float32)
    W_fan1 = jax.random.normal(ks[5], (D, D), dtype=jnp.float32) * s
    b_fan1 = jnp.zeros((D,), dtype=jnp.float32)
    W_fan2 = jax.random.normal(ks[6], (D, 2), dtype=jnp.float32) * s
    b_fan2 = jnp.zeros((2,), dtype=jnp.float32)
    W_finit1 = jax.random.normal(ks[7], (D, D), dtype=jnp.float32) * s
    b_finit1 = jnp.zeros((D,), dtype=jnp.float32)
    W_finit2 = jax.random.normal(ks[8], (D, D), dtype=jnp.float32) * s
    b_finit2 = jnp.zeros((D,), dtype=jnp.float32)
    return {
        'x': x, 'edge_index': edge_index, 'graph_ids': graph_ids,
        'W_gcn': W_gcn, 'b_gcn': b_gcn, 'W_proj': W_proj, 'b_proj': b_proj,
        'W_fan1': W_fan1, 'b_fan1': b_fan1, 'W_fan2': W_fan2, 'b_fan2': b_fan2,
        'W_finit1': W_finit1, 'b_finit1': b_finit1, 'W_finit2': W_finit2, 'b_finit2': b_finit2,
    }

def reference(x, edge_index, graph_ids, W_gcn, b_gcn, W_proj, b_proj,
              W_fan1, b_fan1, W_fan2, b_fan2, W_finit1, b_finit1, W_finit2, b_finit2):
    # One DGMG forward step over a batched graph:
    # T rounds of GCN propagation (gather -> dense -> scatter-add -> relu),
    # graph_project + per-graph sum pooling (hGs), then fan (add-node MLP,
    # softmax probs) and finit (new-node init MLP), as in decide_add_node /
    # update_graph_repr / propagate of the original module.
    src = edge_index[0]
    dst = edge_index[1]
    h = x
    for t in range(T):
        m = h[src] @ W_gcn[t]                              # gather + dense
        agg = jax.ops.segment_sum(m, dst, num_segments=N)  # scatter-add
        h = jax.nn.relu(agg + b_gcn[t])
    # graph representation: project node reprs and sum per graph
    gr = h @ W_proj + b_proj
    hGs = jax.ops.segment_sum(gr, graph_ids, num_segments=G)
    # fan MLP: Linear -> Sigmoid -> Linear -> softmax (decide_add_node)
    fan_h = jax.nn.sigmoid(hGs @ W_fan1 + b_fan1)
    logits = fan_h @ W_fan2 + b_fan2
    p = jax.nn.softmax(logits, axis=1)
    # finit MLP: Linear -> Sigmoid -> Linear (new node hidden state)
    fin_h = jax.nn.sigmoid(hGs @ W_finit1 + b_finit1)
    hvs = fin_h @ W_finit2 + b_finit2
    return jnp.concatenate([p, hvs], axis=1)

if __name__ == "__main__":
    import jax
    _d = setup_inputs()
    print(jax.jit(kernel)(*tuple(_d.values())))

</pallas_src>

<mosaic_0001>
#map = affine_map<(d0, d1) -> (0, 0)>
#map1 = affine_map<(d0, d1) -> (0, 0, 0)>
module attributes {stable_mosaic.version = 14 : i64} {
  func.func @body(%arg0: i32, %arg1: i32, %arg2: memref<10240x128xf32, #tpu.memory_space<hbm>>, %arg3: memref<32x79x128xi32, #tpu.memory_space<hbm>>, %arg4: memref<32x79x128xi32, #tpu.memory_space<hbm>>, %arg5: memref<640x128xf32, #tpu.memory_space<hbm>>, %arg6: memref<2x10240x128xf32, #tpu.memory_space<hbm>>, %arg7: memref<79x128xi32, #tpu.memory_space<vmem>>, %arg8: memref<79x128xi32, #tpu.memory_space<vmem>>, %arg9: memref<128x128xf32, #tpu.memory_space<vmem>>, %arg10: memref<10240x128xf32, #tpu.memory_space<vmem_shared>>, %arg11: memref<!tpu.dma_semaphore, #tpu.memory_space<semaphore_mem>>) attributes {dimension_semantics = [#tpu.dimension_semantics<core_parallel>, #tpu.dimension_semantics<subcore_parallel>], iteration_bounds = array<i64: 2, 16>, scalar_prefetch = 0 : i64, scratch_operands = 5 : i64, tpu.core_type = #tpu.core_type<sc_vector_subcore>, window_params = [{transform_indices = #map}, {transform_indices = #map1}, {transform_indices = #map1}, {transform_indices = #map}, {transform_indices = #map1}]} {
    %mul3A = arith.constant 2 : i32
    %mul3A_0 = arith.muli %arg1, %mul3A : i32
    %add3A = arith.addi %mul3A_0, %arg0 : i32
    "tpu.region"() ({
      %run_scoped3A = tpu.sem_alloc : memref<!tpu.dma_semaphore, #tpu.memory_space<semaphore_mem>>
      %dma_start3A = arith.constant 0 : i32
      %dma_start3A_14 = arith.constant 0 : i32
      %dma_start3A_15 = tpu.memref_slice %arg3[%add3A, %dma_start3A, %dma_start3A_14] : memref<32x79x128xi32, #tpu.memory_space<hbm>> -> memref<1x79x128xi32, #tpu.memory_space<hbm>>
      %dma_start3A_16 = tpu.memref_squeeze %dma_start3A_15 : memref<1x79x128xi32, #tpu.memory_space<hbm>> -> memref<79x128xi32, #tpu.memory_space<hbm>>
      %dma_start3A_17 = arith.constant 0 : i32
      %dma_start3A_18 = arith.constant 0 : i32
      %dma_start3A_19 = tpu.memref_slice %arg3[%add3A, %dma_start3A_17, %dma_start3A_18] : memref<32x79x128xi32, #tpu.memory_space<hbm>> -> memref<1x79x128xi32, #tpu.memory_space<hbm>>
      %dma_start3A_20 = tpu.memref_squeeze %dma_start3A_19 : memref<1x79x128xi32, #tpu.memory_space<hbm>> -> memref<79x128xi32, #tpu.memory_space<hbm>>
      tpu.enqueue_dma source(%dma_start3A_20 : memref<79x128xi32, #tpu.memory_space<hbm>>) target(%arg7 : memref<79x128xi32, #tpu.memory_space<vmem>>) target_semaphore(%run_scoped3A : memref<!tpu.dma_semaphore, #tpu.memory_space<semaphore_mem>>)
      %dma_wait3A = arith.constant 0 : i32
      %dma_wait3A_21 = arith.constant 0 : i32
      %dma_wait3A_22 = tpu.memref_slice %arg3[%add3A, %dma_wait3A, %dma_wait3A_21] : memref<32x79x128xi32, #tpu.memory_space<hbm>> -> memref<1x79x128xi32, #tpu.memory_space<hbm>>
      %dma_wait3A_23 = tpu.memref_squeeze %dma_wait3A_22 : memref<1x79x128xi32, #tpu.memory_space<hbm>> -> memref<79x128xi32, #tpu.memory_space<hbm>>
      %dma_wait3A_24 = arith.constant 0 : i32
      %dma_wait3A_25 = arith.constant 0 : i32
      %dma_wait3A_26 = tpu.memref_slice %arg3[%add3A, %dma_wait3A_24, %dma_wait3A_25] : memref<32x79x128xi32, #tpu.memory_space<hbm>> -> memref<1x79x128xi32, #tpu.memory_space<hbm>>
      %dma_wait3A_27 = tpu.memref_squeeze %dma_wait3A_26 : memref<1x79x128xi32, #tpu.memory_space<hbm>> -> memref<79x128xi32, #tpu.memory_space<hbm>>
      tpu.wait_dma2 semaphore(%run_scoped3A : memref<!tpu.dma_semaphore, #tpu.memory_space<semaphore_mem>>) src(%dma_wait3A_27 : memref<79x128xi32, #tpu.memory_space<hbm>>) dst(%arg7 : memref<79x128xi32, #tpu.memory_space<vmem>>)
      tpu.yield
    }) : () -> ()
    "tpu.region"() ({
      %run_scoped3A = tpu.sem_alloc : memref<!tpu.dma_semaphore, #tpu.memory_space<semaphore_mem>>
      %dma_start3A = arith.constant 0 : i32
      %dma_start3A_14 = arith.constant 0 : i32
      %dma_start3A_15 = tpu.memref_slice %arg4[%add3A, %dma_start3A, %dma_start3A_14] : memref<32x79x128xi32, #tpu.memory_space<hbm>> -> memref<1x79x128xi32, #tpu.memory_space<hbm>>
      %dma_start3A_16 = tpu.memref_squeeze %dma_start3A_15 : memref<1x79x128xi32, #tpu.memory_space<hbm>> -> memref<79x128xi32, #tpu.memory_space<hbm>>
      %dma_start3A_17 = arith.constant 0 : i32
      %dma_start3A_18 = arith.constant 0 : i32
      %dma_start3A_19 = tpu.memref_slice %arg4[%add3A, %dma_start3A_17, %dma_start3A_18] : memref<32x79x128xi32, #tpu.memory_space<hbm>> -> memref<1x79x128xi32, #tpu.memory_space<hbm>>
      %dma_start3A_20 = tpu.memref_squeeze %dma_start3A_19 : memref<1x79x128xi32, #tpu.memory_space<hbm>> -> memref<79x128xi32, #tpu.memory_space<hbm>>
      tpu.enqueue_dma source(%dma_start3A_20 : memref<79x128xi32, #tpu.memory_space<hbm>>) target(%arg8 : memref<79x128xi32, #tpu.memory_space<vmem>>) target_semaphore(%run_scoped3A : memref<!tpu.dma_semaphore, #tpu.memory_space<semaphore_mem>>)
      %dma_wait3A = arith.constant 0 : i32
      %dma_wait3A_21 = arith.constant 0 : i32
      %dma_wait3A_22 = tpu.memref_slice %arg4[%add3A, %dma_wait3A, %dma_wait3A_21] : memref<32x79x128xi32, #tpu.memory_space<hbm>> -> memref<1x79x128xi32, #tpu.memory_space<hbm>>
      %dma_wait3A_23 = tpu.memref_squeeze %dma_wait3A_22 : memref<1x79x128xi32, #tpu.memory_space<hbm>> -> memref<79x128xi32, #tpu.memory_space<hbm>>
      %dma_wait3A_24 = arith.constant 0 : i32
      %dma_wait3A_25 = arith.constant 0 : i32
      %dma_wait3A_26 = tpu.memref_slice %arg4[%add3A, %dma_wait3A_24, %dma_wait3A_25] : memref<32x79x128xi32, #tpu.memory_space<hbm>> -> memref<1x79x128xi32, #tpu.memory_space<hbm>>
      %dma_wait3A_27 = tpu.memref_squeeze %dma_wait3A_26 : memref<1x79x128xi32, #tpu.memory_space<hbm>> -> memref<79x128xi32, #tpu.memory_space<hbm>>
      tpu.wait_dma2 semaphore(%run_scoped3A : memref<!tpu.dma_semaphore, #tpu.memory_space<semaphore_mem>>) src(%dma_wait3A_27 : memref<79x128xi32, #tpu.memory_space<hbm>>) dst(%arg8 : memref<79x128xi32, #tpu.memory_space<vmem>>)
      tpu.yield
    }) : () -> ()
    %mul3A_1 = arith.constant 640 : i32
    %mul3A_2 = arith.muli %arg1, %mul3A_1 : i32
    "tpu.region"() ({
      %run_scoped3A = tpu.sem_alloc : memref<!tpu.dma_semaphore, #tpu.memory_space<semaphore_mem>>
      %dma_start3A = arith.constant 0 : i32
      %dma_start3A_14 = tpu.memref_slice %arg10[%mul3A_2, %dma_start3A] : memref<10240x128xf32, #tpu.memory_space<vmem_shared>> -> memref<640x128xf32, #tpu.memory_space<vmem_shared>>
      tpu.enqueue_dma source(%arg5 : memref<640x128xf32, #tpu.memory_space<hbm>>) target(%dma_start3A_14 : memref<640x128xf32, #tpu.memory_space<vmem_shared>>) target_semaphore(%run_scoped3A : memref<!tpu.dma_semaphore, #tpu.memory_space<semaphore_mem>>)
      %dma_wait3A = arith.constant 0 : i32
      %dma_wait3A_15 = tpu.memref_slice %arg10[%mul3A_2, %dma_wait3A] : memref<10240x128xf32, #tpu.memory_space<vmem_shared>> -> memref<640x128xf32, #tpu.memory_space<vmem_shared>>
      tpu.wait_dma2 semaphore(%run_scoped3A : memref<!tpu.dma_semaphore, #tpu.memory_space<semaphore_mem>>) src(%arg5 : memref<640x128xf32, #tpu.memory_space<hbm>>) dst(%dma_wait3A_15 : memref<640x128xf32, #tpu.memory_space<vmem_shared>>)
      tpu.yield
    }) : () -> ()
    %barrier3A = arith.constant 0 : index
    tpu.barrier barrier_id(%barrier3A)
    %scan3A = arith.constant 0 : i32
    %scan3A_3 = arith.constant 0 : i32
    %scan3A_4 = arith.constant 79 : i32
    %scan3A_5 = arith.addi %scan3A_3, %scan3A_4 : i32
    %scan3A_6 = arith.constant 1 : i32
    %scan3A_7 = scf.for %scan3A_14 = %scan3A_3 to %scan3A_5 step %scan3A_6 iter_args(%scan3A_15 = %scan3A) -> (i32)  : i32 {
      %dma_start3A = arith.constant 0 : i32
      %dma_start3A_16 = tpu.memref_slice %arg7[%scan3A_14, %dma_start3A] : memref<79x128xi32, #tpu.memory_space<vmem>> -> memref<1x128xi32, #tpu.memory_space<vmem>>
      %dma_start3A_17 = tpu.memref_squeeze %dma_start3A_16 : memref<1x128xi32, #tpu.memory_space<vmem>> -> memref<128xi32, #tpu.memory_space<vmem>>
      %dma_start3A_18 = arith.constant 0 : i32
      %dma_start3A_19 = arith.constant 0 : i32
      %dma_start3A_20 = tpu.memref_slice %arg2[%dma_start3A_18, %dma_start3A_19] : memref<10240x128xf32, #tpu.memory_space<hbm>> -> memref<10240x128xf32, #tpu.memory_space<hbm>>
      tpu.enqueue_indirect_dma source(%dma_start3A_20 : memref<10240x128xf32, #tpu.memory_space<hbm>>) target(%arg9 : memref<128x128xf32, #tpu.memory_space<vmem>>) offsets(%dma_start3A_17 : memref<128xi32, #tpu.memory_space<vmem>>) semaphore(%arg11 : memref<!tpu.dma_semaphore, #tpu.memory_space<semaphore_mem>>)
      %dma_wait3A = arith.constant 0 : i32
      %dma_wait3A_21 = tpu.memref_slice %arg7[%scan3A_14, %dma_wait3A] : memref<79x128xi32, #tpu.memory_space<vmem>> -> memref<1x128xi32, #tpu.memory_space<vmem>>
      %dma_wait3A_22 = tpu.memref_squeeze %dma_wait3A_21 : memref<1x128xi32, #tpu.memory_space<vmem>> -> memref<128xi32, #tpu.memory_space<vmem>>
      %dma_wait3A_23 = arith.constant 0 : i32
      %dma_wait3A_24 = arith.constant 0 : i32
      %dma_wait3A_25 = tpu.memref_slice %arg2[%dma_wait3A_23, %dma_wait3A_24] : memref<10240x128xf32, #tpu.memory_space<hbm>> -> memref<10240x128xf32, #tpu.memory_space<hbm>>
      tpu.wait_indirect_dma semaphore(%arg11 : memref<!tpu.dma_semaphore, #tpu.memory_space<semaphore_mem>>) src(%dma_wait3A_25 : memref<10240x128xf32, #tpu.memory_space<hbm>>) dst(%arg9 : memref<128x128xf32, #tpu.memory_space<vmem>>)
      "tpu.region"() ({
        %run_scoped3A = tpu.sem_alloc : memref<!tpu.dma_semaphore, #tpu.memory_space<semaphore_mem>>
        %dma_start3A_27 = arith.constant 0 : i32
        %dma_start3A_28 = tpu.memref_slice %arg8[%scan3A_14, %dma_start3A_27] : memref<79x128xi32, #tpu.memory_space<vmem>> -> memref<1x128xi32, #tpu.memory_space<vmem>>
        %dma_start3A_29 = tpu.memref_squeeze %dma_start3A_28 : memref<1x128xi32, #tpu.memory_space<vmem>> -> memref<128xi32, #tpu.memory_space<vmem>>
        %dma_start3A_30 = arith.constant 0 : i32
        %dma_start3A_31 = arith.constant 0 : i32
        %dma_start3A_32 = tpu.memref_slice %arg10[%dma_start3A_30, %dma_start3A_31] : memref<10240x128xf32, #tpu.memory_space<vmem_shared>> -> memref<10240x128xf32, #tpu.memory_space<vmem_shared>>
        tpu.enqueue_indirect_dma source(%arg9 : memref<128x128xf32, #tpu.memory_space<vmem>>) target(%dma_start3A_32 : memref<10240x128xf32, #tpu.memory_space<vmem_shared>>) offsets(%dma_start3A_29 : memref<128xi32, #tpu.memory_space<vmem>>) semaphore(%run_scoped3A : memref<!tpu.dma_semaphore, #tpu.memory_space<semaphore_mem>>) {add = true}
        %dma_wait3A_33 = arith.constant 0 : i32
        %dma_wait3A_34 = tpu.memref_slice %arg8[%scan3A_14, %dma_wait3A_33] : memref<79x128xi32, #tpu.memory_space<vmem>> -> memref<1x128xi32, #tpu.memory_space<vmem>>
        %dma_wait3A_35 = tpu.memref_squeeze %dma_wait3A_34 : memref<1x128xi32, #tpu.memory_space<vmem>> -> memref<128xi32, #tpu.memory_space<vmem>>
        %dma_wait3A_36 = arith.constant 0 : i32
        %dma_wait3A_37 = arith.constant 0 : i32
        %dma_wait3A_38 = tpu.memref_slice %arg10[%dma_wait3A_36, %dma_wait3A_37] : memref<10240x128xf32, #tpu.memory_space<vmem_shared>> -> memref<10240x128xf32, #tpu.memory_space<vmem_shared>>
        tpu.wait_indirect_dma semaphore(%run_scoped3A : memref<!tpu.dma_semaphore, #tpu.memory_space<semaphore_mem>>) src(%arg9 : memref<128x128xf32, #tpu.memory_space<vmem>>) dst(%dma_wait3A_38 : memref<10240x128xf32, #tpu.memory_space<vmem_shared>>)
        tpu.yield
      }) : () -> ()
      %scan3A_26 = arith.constant 0 : i32
      scf.yield %scan3A_26 : i32
    }
    %scan3A_8 = arith.constant 79 : i32
    %barrier3A_9 = arith.constant 0 : index
    tpu.barrier barrier_id(%barrier3A_9)
    %mul3A_10 = arith.constant 640 : i32
    %mul3A_11 = arith.muli %arg1, %mul3A_10 : i32
    %mul3A_12 = arith.constant 640 : i32
    %mul3A_13 = arith.muli %arg1, %mul3A_12 : i32
    "tpu.region"() ({
      %run_scoped3A = tpu.sem_alloc : memref<!tpu.dma_semaphore, #tpu.memory_space<semaphore_mem>>
      %dma_start3A = arith.constant 0 : i32
      %dma_start3A_14 = tpu.memref_slice %arg6[%arg0, %mul3A_13, %dma_start3A] : memref<2x10240x128xf32, #tpu.memory_space<hbm>> -> memref<1x640x128xf32, #tpu.memory_space<hbm>>
      %dma_start3A_15 = tpu.memref_squeeze %dma_start3A_14 : memref<1x640x128xf32, #tpu.memory_space<hbm>> -> memref<640x128xf32, #tpu.memory_space<hbm>>
      %dma_start3A_16 = arith.constant 0 : i32
      %dma_start3A_17 = tpu.memref_slice %arg10[%mul3A_11, %dma_start3A_16] : memref<10240x128xf32, #tpu.memory_space<vmem_shared>> -> memref<640x128xf32, #tpu.memory_space<vmem_shared>>
      tpu.enqueue_dma source(%dma_start3A_17 : memref<640x128xf32, #tpu.memory_space<vmem_shared>>) target(%dma_start3A_15 : memref<640x128xf32, #tpu.memory_space<hbm>>) target_semaphore(%run_scoped3A : memref<!tpu.dma_semaphore, #tpu.memory_space<semaphore_mem>>)
      %dma_wait3A = arith.constant 0 : i32
      %dma_wait3A_18 = tpu.memref_slice %arg6[%arg0, %mul3A_13, %dma_wait3A] : memref<2x10240x128xf32, #tpu.memory_space<hbm>> -> memref<1x640x128xf32, #tpu.memory_space<hbm>>
      %dma_wait3A_19 = tpu.memref_squeeze %dma_wait3A_18 : memref<1x640x128xf32, #tpu.memory_space<hbm>> -> memref<640x128xf32, #tpu.memory_space<hbm>>
      %dma_wait3A_20 = arith.constant 0 : i32
      %dma_wait3A_21 = tpu.memref_slice %arg10[%mul3A_11, %dma_wait3A_20] : memref<10240x128xf32, #tpu.memory_space<vmem_shared>> -> memref<640x128xf32, #tpu.memory_space<vmem_shared>>
      tpu.wait_dma2 semaphore(%run_scoped3A : memref<!tpu.dma_semaphore, #tpu.memory_space<semaphore_mem>>) src(%dma_wait3A_21 : memref<640x128xf32, #tpu.memory_space<vmem_shared>>) dst(%dma_wait3A_19 : memref<640x128xf32, #tpu.memory_space<hbm>>)
      tpu.yield
    }) : () -> ()
    return
  }
}

#map = affine_map<(d0, d1) -> (0, 0)>
#map1 = affine_map<(d0, d1) -> (0, 0, 0)>
module attributes {stable_mosaic.version = 14 : i64} {
  func.func @body(%arg0: i32, %arg1: i32, %arg2: memref<10240x128xf32, #tpu.memory_space<hbm>>, %arg3: memref<32x79x128xi32, #tpu.memory_space<hbm>>, %arg4: memref<32x79x128xi32, #tpu.memory_space<hbm>>, %arg5: memref<640x128xf32, #tpu.memory_space<hbm>>, %arg6: memref<2x10240x128xf32, #tpu.memory_space<hbm>>, %arg7: memref<79x128xi32, #tpu.memory_space<vmem>>, %arg8: memref<79x128xi32, #tpu.memory_space<vmem>>, %arg9: memref<128x128xf32, #tpu.memory_space<vmem>>, %arg10: memref<10240x128xf32, #tpu.memory_space<vmem_shared>>, %arg11: memref<!tpu.dma_semaphore, #tpu.memory_space<semaphore_mem>>) attributes {dimension_semantics = [#tpu.dimension_semantics<core_parallel>, #tpu.dimension_semantics<subcore_parallel>], iteration_bounds = array<i64: 2, 16>, scalar_prefetch = 0 : i64, scratch_operands = 5 : i64, tpu.core_type = #tpu.core_type<sc_vector_subcore>, window_params = [{transform_indices = #map}, {transform_indices = #map1}, {transform_indices = #map1}, {transform_indices = #map}, {transform_indices = #map1}]} {
    %mul3A = arith.constant 2 : i32
    %mul3A_0 = arith.muli %arg1, %mul3A : i32
    %add3A = arith.addi %mul3A_0, %arg0 : i32
    "tpu.region"() ({
      %run_scoped3A = tpu.sem_alloc : memref<!tpu.dma_semaphore, #tpu.memory_space<semaphore_mem>>
      %dma_start3A = arith.constant 0 : i32
      %dma_start3A_14 = arith.constant 0 : i32
      %dma_start3A_15 = tpu.memref_slice %arg3[%add3A, %dma_start3A, %dma_start3A_14] : memref<32x79x128xi32, #tpu.memory_space<hbm>> -> memref<1x79x128xi32, #tpu.memory_space<hbm>>
      %dma_start3A_16 = tpu.memref_squeeze %dma_start3A_15 : memref<1x79x128xi32, #tpu.memory_space<hbm>> -> memref<79x128xi32, #tpu.memory_space<hbm>>
      %dma_start3A_17 = arith.constant 0 : i32
      %dma_start3A_18 = arith.constant 0 : i32
      %dma_start3A_19 = tpu.memref_slice %arg3[%add3A, %dma_start3A_17, %dma_start3A_18] : memref<32x79x128xi32, #tpu.memory_space<hbm>> -> memref<1x79x128xi32, #tpu.memory_space<hbm>>
      %dma_start3A_20 = tpu.memref_squeeze %dma_start3A_19 : memref<1x79x128xi32, #tpu.memory_space<hbm>> -> memref<79x128xi32, #tpu.memory_space<hbm>>
      tpu.enqueue_dma source(%dma_start3A_20 : memref<79x128xi32, #tpu.memory_space<hbm>>) target(%arg7 : memref<79x128xi32, #tpu.memory_space<vmem>>) target_semaphore(%run_scoped3A : memref<!tpu.dma_semaphore, #tpu.memory_space<semaphore_mem>>)
      %dma_wait3A = arith.constant 0 : i32
      %dma_wait3A_21 = arith.constant 0 : i32
      %dma_wait3A_22 = tpu.memref_slice %arg3[%add3A, %dma_wait3A, %dma_wait3A_21] : memref<32x79x128xi32, #tpu.memory_space<hbm>> -> memref<1x79x128xi32, #tpu.memory_space<hbm>>
      %dma_wait3A_23 = tpu.memref_squeeze %dma_wait3A_22 : memref<1x79x128xi32, #tpu.memory_space<hbm>> -> memref<79x128xi32, #tpu.memory_space<hbm>>
      %dma_wait3A_24 = arith.constant 0 : i32
      %dma_wait3A_25 = arith.constant 0 : i32
      %dma_wait3A_26 = tpu.memref_slice %arg3[%add3A, %dma_wait3A_24, %dma_wait3A_25] : memref<32x79x128xi32, #tpu.memory_space<hbm>> -> memref<1x79x128xi32, #tpu.memory_space<hbm>>
      %dma_wait3A_27 = tpu.memref_squeeze %dma_wait3A_26 : memref<1x79x128xi32, #tpu.memory_space<hbm>> -> memref<79x128xi32, #tpu.memory_space<hbm>>
      tpu.wait_dma2 semaphore(%run_scoped3A : memref<!tpu.dma_semaphore, #tpu.memory_space<semaphore_mem>>) src(%dma_wait3A_27 : memref<79x128xi32, #tpu.memory_space<hbm>>) dst(%arg7 : memref<79x128xi32, #tpu.memory_space<vmem>>)
      tpu.yield
    }) : () -> ()
    "tpu.region"() ({
      %run_scoped3A = tpu.sem_alloc : memref<!tpu.dma_semaphore, #tpu.memory_space<semaphore_mem>>
      %dma_start3A = arith.constant 0 : i32
      %dma_start3A_14 = arith.constant 0 : i32
      %dma_start3A_15 = tpu.memref_slice %arg4[%add3A, %dma_start3A, %dma_start3A_14] : memref<32x79x128xi32, #tpu.memory_space<hbm>> -> memref<1x79x128xi32, #tpu.memory_space<hbm>>
      %dma_start3A_16 = tpu.memref_squeeze %dma_start3A_15 : memref<1x79x128xi32, #tpu.memory_space<hbm>> -> memref<79x128xi32, #tpu.memory_space<hbm>>
      %dma_start3A_17 = arith.constant 0 : i32
      %dma_start3A_18 = arith.constant 0 : i32
      %dma_start3A_19 = tpu.memref_slice %arg4[%add3A, %dma_start3A_17, %dma_start3A_18] : memref<32x79x128xi32, #tpu.memory_space<hbm>> -> memref<1x79x128xi32, #tpu.memory_space<hbm>>
      %dma_start3A_20 = tpu.memref_squeeze %dma_start3A_19 : memref<1x79x128xi32, #tpu.memory_space<hbm>> -> memref<79x128xi32, #tpu.memory_space<hbm>>
      tpu.enqueue_dma source(%dma_start3A_20 : memref<79x128xi32, #tpu.memory_space<hbm>>) target(%arg8 : memref<79x128xi32, #tpu.memory_space<vmem>>) target_semaphore(%run_scoped3A : memref<!tpu.dma_semaphore, #tpu.memory_space<semaphore_mem>>)
      %dma_wait3A = arith.constant 0 : i32
      %dma_wait3A_21 = arith.constant 0 : i32
      %dma_wait3A_22 = tpu.memref_slice %arg4[%add3A, %dma_wait3A, %dma_wait3A_21] : memref<32x79x128xi32, #tpu.memory_space<hbm>> -> memref<1x79x128xi32, #tpu.memory_space<hbm>>
      %dma_wait3A_23 = tpu.memref_squeeze %dma_wait3A_22 : memref<1x79x128xi32, #tpu.memory_space<hbm>> -> memref<79x128xi32, #tpu.memory_space<hbm>>
      %dma_wait3A_24 = arith.constant 0 : i32
      %dma_wait3A_25 = arith.constant 0 : i32
      %dma_wait3A_26 = tpu.memref_slice %arg4[%add3A, %dma_wait3A_24, %dma_wait3A_25] : memref<32x79x128xi32, #tpu.memory_space<hbm>> -> memref<1x79x128xi32, #tpu.memory_space<hbm>>
      %dma_wait3A_27 = tpu.memref_squeeze %dma_wait3A_26 : memref<1x79x128xi32, #tpu.memory_space<hbm>> -> memref<79x128xi32, #tpu.memory_space<hbm>>
      tpu.wait_dma2 semaphore(%run_scoped3A : memref<!tpu.dma_semaphore, #tpu.memory_space<semaphore_mem>>) src(%dma_wait3A_27 : memref<79x128xi32, #tpu.memory_space<hbm>>) dst(%arg8 : memref<79x128xi32, #tpu.memory_space<vmem>>)
      tpu.yield
    }) : () -> ()
    %mul3A_1 = arith.constant 640 : i32
    %mul3A_2 = arith.muli %arg1, %mul3A_1 : i32
    "tpu.region"() ({
      %run_scoped3A = tpu.sem_alloc : memref<!tpu.dma_semaphore, #tpu.memory_space<semaphore_mem>>
      %dma_start3A = arith.constant 0 : i32
      %dma_start3A_14 = tpu.memref_slice %arg10[%mul3A_2, %dma_start3A] : memref<10240x128xf32, #tpu.memory_space<vmem_shared>> -> memref<640x128xf32, #tpu.memory_space<vmem_shared>>
      tpu.enqueue_dma source(%arg5 : memref<640x128xf32, #tpu.memory_space<hbm>>) target(%dma_start3A_14 : memref<640x128xf32, #tpu.memory_space<vmem_shared>>) target_semaphore(%run_scoped3A : memref<!tpu.dma_semaphore, #tpu.memory_space<semaphore_mem>>)
      %dma_wait3A = arith.constant 0 : i32
      %dma_wait3A_15 = tpu.memref_slice %arg10[%mul3A_2, %dma_wait3A] : memref<10240x128xf32, #tpu.memory_space<vmem_shared>> -> memref<640x128xf32, #tpu.memory_space<vmem_shared>>
      tpu.wait_dma2 semaphore(%run_scoped3A : memref<!tpu.dma_semaphore, #tpu.memory_space<semaphore_mem>>) src(%arg5 : memref<640x128xf32, #tpu.memory_space<hbm>>) dst(%dma_wait3A_15 : memref<640x128xf32, #tpu.memory_space<vmem_shared>>)
      tpu.yield
    }) : () -> ()
    %barrier3A = arith.constant 0 : index
    tpu.barrier barrier_id(%barrier3A)
    %scan3A = arith.constant 0 : i32
    %scan3A_3 = arith.constant 0 : i32
    %scan3A_4 = arith.constant 79 : i32
    %scan3A_5 = arith.addi %scan3A_3, %scan3A_4 : i32
    %scan3A_6 = arith.constant 1 : i32
    %scan3A_7 = scf.for %scan3A_14 = %scan3A_3 to %scan3A_5 step %scan3A_6 iter_args(%scan3A_15 = %scan3A) -> (i32)  : i32 {
      %dma_start3A = arith.constant 0 : i32
      %dma_start3A_16 = tpu.memref_slice %arg7[%scan3A_14, %dma_start3A] : memref<79x128xi32, #tpu.memory_space<vmem>> -> memref<1x128xi32, #tpu.memory_space<vmem>>
      %dma_start3A_17 = tpu.memref_squeeze %dma_start3A_16 : memref<1x128xi32, #tpu.memory_space<vmem>> -> memref<128xi32, #tpu.memory_space<vmem>>
      %dma_start3A_18 = arith.constant 0 : i32
      %dma_start3A_19 = arith.constant 0 : i32
      %dma_start3A_20 = tpu.memref_slice %arg2[%dma_start3A_18, %dma_start3A_19] : memref<10240x128xf32, #tpu.memory_space<hbm>> -> memref<10240x128xf32, #tpu.memory_space<hbm>>
      tpu.enqueue_indirect_dma source(%dma_start3A_20 : memref<10240x128xf32, #tpu.memory_space<hbm>>) target(%arg9 : memref<128x128xf32, #tpu.memory_space<vmem>>) offsets(%dma_start3A_17 : memref<128xi32, #tpu.memory_space<vmem>>) semaphore(%arg11 : memref<!tpu.dma_semaphore, #tpu.memory_space<semaphore_mem>>)
      %dma_wait3A = arith.constant 0 : i32
      %dma_wait3A_21 = tpu.memref_slice %arg7[%scan3A_14, %dma_wait3A] : memref<79x128xi32, #tpu.memory_space<vmem>> -> memref<1x128xi32, #tpu.memory_space<vmem>>
      %dma_wait3A_22 = tpu.memref_squeeze %dma_wait3A_21 : memref<1x128xi32, #tpu.memory_space<vmem>> -> memref<128xi32, #tpu.memory_space<vmem>>
      %dma_wait3A_23 = arith.constant 0 : i32
      %dma_wait3A_24 = arith.constant 0 : i32
      %dma_wait3A_25 = tpu.memref_slice %arg2[%dma_wait3A_23, %dma_wait3A_24] : memref<10240x128xf32, #tpu.memory_space<hbm>> -> memref<10240x128xf32, #tpu.memory_space<hbm>>
      tpu.wait_indirect_dma semaphore(%arg11 : memref<!tpu.dma_semaphore, #tpu.memory_space<semaphore_mem>>) src(%dma_wait3A_25 : memref<10240x128xf32, #tpu.memory_space<hbm>>) dst(%arg9 : memref<128x128xf32, #tpu.memory_space<vmem>>)
      "tpu.region"() ({
        %run_scoped3A = tpu.sem_alloc : memref<!tpu.dma_semaphore, #tpu.memory_space<semaphore_mem>>
        %dma_start3A_27 = arith.constant 0 : i32
        %dma_start3A_28 = tpu.memref_slice %arg8[%scan3A_14, %dma_start3A_27] : memref<79x128xi32, #tpu.memory_space<vmem>> -> memref<1x128xi32, #tpu.memory_space<vmem>>
        %dma_start3A_29 = tpu.memref_squeeze %dma_start3A_28 : memref<1x128xi32, #tpu.memory_space<vmem>> -> memref<128xi32, #tpu.memory_space<vmem>>
        %dma_start3A_30 = arith.constant 0 : i32
        %dma_start3A_31 = arith.constant 0 : i32
        %dma_start3A_32 = tpu.memref_slice %arg10[%dma_start3A_30, %dma_start3A_31] : memref<10240x128xf32, #tpu.memory_space<vmem_shared>> -> memref<10240x128xf32, #tpu.memory_space<vmem_shared>>
        tpu.enqueue_indirect_dma source(%arg9 : memref<128x128xf32, #tpu.memory_space<vmem>>) target(%dma_start3A_32 : memref<10240x128xf32, #tpu.memory_space<vmem_shared>>) offsets(%dma_start3A_29 : memref<128xi32, #tpu.memory_space<vmem>>) semaphore(%run_scoped3A : memref<!tpu.dma_semaphore, #tpu.memory_space<semaphore_mem>>) {add = true}
        %dma_wait3A_33 = arith.constant 0 : i32
        %dma_wait3A_34 = tpu.memref_slice %arg8[%scan3A_14, %dma_wait3A_33] : memref<79x128xi32, #tpu.memory_space<vmem>> -> memref<1x128xi32, #tpu.memory_space<vmem>>
        %dma_wait3A_35 = tpu.memref_squeeze %dma_wait3A_34 : memref<1x128xi32, #tpu.memory_space<vmem>> -> memref<128xi32, #tpu.memory_space<vmem>>
        %dma_wait3A_36 = arith.constant 0 : i32
        %dma_wait3A_37 = arith.constant 0 : i32
        %dma_wait3A_38 = tpu.memref_slice %arg10[%dma_wait3A_36, %dma_wait3A_37] : memref<10240x128xf32, #tpu.memory_space<vmem_shared>> -> memref<10240x128xf32, #tpu.memory_space<vmem_shared>>
        tpu.wait_indirect_dma semaphore(%run_scoped3A : memref<!tpu.dma_semaphore, #tpu.memory_space<semaphore_mem>>) src(%arg9 : memref<128x128xf32, #tpu.memory_space<vmem>>) dst(%dma_wait3A_38 : memref<10240x128xf32, #tpu.memory_space<vmem_shared>>)
        tpu.yield
      }) : () -> ()
      %scan3A_26 = arith.constant 0 : i32
      scf.yield %scan3A_26 : i32
    }
    %scan3A_8 = arith.constant 79 : i32
    %barrier3A_9 = arith.constant 0 : index
    tpu.barrier barrier_id(%barrier3A_9)
    %mul3A_10 = arith.constant 640 : i32
    %mul3A_11 = arith.muli %arg1, %mul3A_10 : i32
    %mul3A_12 = arith.constant 640 : i32
    %mul3A_13 = arith.muli %arg1, %mul3A_12 : i32
    "tpu.region"() ({
      %run_scoped3A = tpu.sem_alloc : memref<!tpu.dma_semaphore, #tpu.memory_space<semaphore_mem>>
      %dma_start3A = arith.constant 0 : i32
      %dma_start3A_14 = tpu.memref_slice %arg6[%arg0, %mul3A_13, %dma_start3A] : memref<2x10240x128xf32, #tpu.memory_space<hbm>> -> memref<1x640x128xf32, #tpu.memory_space<hbm>>
      %dma_start3A_15 = tpu.memref_squeeze %dma_start3A_14 : memref<1x640x128xf32, #tpu.memory_space<hbm>> -> memref<640x128xf32, #tpu.memory_space<hbm>>
      %dma_start3A_16 = arith.constant 0 : i32
      %dma_start3A_17 = tpu.memref_slice %arg10[%mul3A_11, %dma_start3A_16] : memref<10240x128xf32, #tpu.memory_space<vmem_shared>> -> memref<640x128xf32, #tpu.memory_space<vmem_shared>>
      tpu.enqueue_dma source(%dma_start3A_17 : memref<640x128xf32, #tpu.memory_space<vmem_shared>>) target(%dma_start3A_15 : memref<640x128xf32, #tpu.memory_space<hbm>>) target_semaphore(%run_scoped3A : memref<!tpu.dma_semaphore, #tpu.memory_space<semaphore_mem>>)
      %dma_wait3A = arith.constant 0 : i32
      %dma_wait3A_18 = tpu.memref_slice %arg6[%arg0, %mul3A_13, %dma_wait3A] : memref<2x10240x128xf32, #tpu.memory_space<hbm>> -> memref<1x640x128xf32, #tpu.memory_space<hbm>>
      %dma_wait3A_19 = tpu.memref_squeeze %dma_wait3A_18 : memref<1x640x128xf32, #tpu.memory_space<hbm>> -> memref<640x128xf32, #tpu.memory_space<hbm>>
      %dma_wait3A_20 = arith.constant 0 : i32
      %dma_wait3A_21 = tpu.memref_slice %arg10[%mul3A_11, %dma_wait3A_20] : memref<10240x128xf32, #tpu.memory_space<vmem_shared>> -> memref<640x128xf32, #tpu.memory_space<vmem_shared>>
      tpu.wait_dma2 semaphore(%run_scoped3A : memref<!tpu.dma_semaphore, #tpu.memory_space<semaphore_mem>>) src(%dma_wait3A_21 : memref<640x128xf32, #tpu.memory_space<vmem_shared>>) dst(%dma_wait3A_19 : memref<640x128xf32, #tpu.memory_space<hbm>>)
      tpu.yield
    }) : () -> ()
    return
  }
}

module attributes {stable_mosaic.version = 14 : i64} {
  func.func @body(%arg0: i32, %arg1: memref<1024x128xf32, #tpu.memory_space<vmem>>, %arg2: memref<128x128xf32, #tpu.memory_space<vmem>>, %arg3: memref<1024x128xf32, #tpu.memory_space<vmem>>) attributes {dimension_semantics = [#tpu.dimension_semantics<arbitrary>], iteration_bounds = array<i64: 10>, scalar_prefetch = 0 : i64, scratch_operands = 0 : i64, tpu.core_type = #tpu.core_type<tc>, window_params = [{transform_indices = @transform_0, window_bounds = array<i64: 1024, 128>}, {pipeline_mode = #tpu.pipeline_mode<synchronous>, transform_indices = @transform_1, window_bounds = array<i64: 128, 128>}, {transform_indices = @transform_2, window_bounds = array<i64: 1024, 128>}]} {
    %get3A = arith.constant 0 : index
    %get3A_0 = arith.constant 0 : index
    %get3A_1 = vector.load %arg1[%get3A, %get3A_0] : memref<1024x128xf32, #tpu.memory_space<vmem>>, vector<1024x128xf32>
    %get3A_2 = arith.constant 0 : index
    %get3A_3 = arith.constant 0 : index
    %get3A_4 = vector.load %arg2[%get3A_2, %get3A_3] : memref<128x128xf32, #tpu.memory_space<vmem>>, vector<128x128xf32>
    %dot_general3A = arith.constant dense<0.000000e+00> : vector<1024x128xf32>
    %dot_general3A_5 = tpu.matmul %get3A_1, %get3A_4, %dot_general3A {dimension_numbers = #tpu.dot_dimension_numbers<[1], [0], [0], [1], [0, 0, 1, 1], [], []>, transpose_lhs_hint = false} : vector<1024x128xf32>, vector<128x128xf32>, vector<1024x128xf32> -> vector<1024x128xf32>
    %swap3A = arith.constant 0 : index
    %swap3A_6 = arith.constant 0 : index
    %swap3A_7 = vector.load %arg3[%swap3A, %swap3A_6] : memref<1024x128xf32, #tpu.memory_space<vmem>>, vector<1024x128xf32>
    tpu.vector_store %arg3[%swap3A, %swap3A_6], %dot_general3A_5 {strides = array<i32>} : memref<1024x128xf32, #tpu.memory_space<vmem>>, vector<1024x128xf32>,
    return
  }
  func.func @transform_0(%arg0: i32) -> (i32, i32) {
    %c0_i32 = arith.constant 0 : i32
    %c0_i32_0 = arith.constant 0 : i32
    return %arg0, %c0_i32 : i32, i32
  }
  func.func @transform_1(%arg0: i32) -> (i32, i32) {
    %c0_i32 = arith.constant 0 : i32
    %c0_i32_0 = arith.constant 0 : i32
    %c0_i32_1 = arith.constant 0 : i32
    return %c0_i32, %c0_i32_0 : i32, i32
  }
  func.func @transform_2(%arg0: i32) -> (i32, i32) {
    %c0_i32 = arith.constant 0 : i32
    %c0_i32_0 = arith.constant 0 : i32
    return %arg0, %c0_i32 : i32, i32
  }
}

module attributes {stable_mosaic.version = 14 : i64} {
  func.func @body(%arg0: i32, %arg1: memref<2x1024x128xf32, #tpu.memory_space<vmem>>, %arg2: memref<1x128xf32, #tpu.memory_space<vmem>>, %arg3: memref<128x128xf32, #tpu.memory_space<vmem>>, %arg4: memref<1024x128xf32, #tpu.memory_space<vmem>>) attributes {dimension_semantics = [#tpu.dimension_semantics<arbitrary>], iteration_bounds = array<i64: 10>, scalar_prefetch = 0 : i64, scratch_operands = 0 : i64, tpu.core_type = #tpu.core_type<tc>, window_params = [{transform_indices = @transform_0, window_bounds = array<i64: 2, 1024, 128>}, {pipeline_mode = #tpu.pipeline_mode<synchronous>, transform_indices = @transform_1, window_bounds = array<i64: 1, 128>}, {pipeline_mode = #tpu.pipeline_mode<synchronous>, transform_indices = @transform_2, window_bounds = array<i64: 128, 128>}, {transform_indices = @transform_3, window_bounds = array<i64: 1024, 128>}]} {
    %get3A = arith.constant 0 : index
    %get3A_0 = arith.constant 0 : index
    %get3A_1 = arith.constant 0 : index
    %get3A_2 = vector.load %arg1[%get3A, %get3A_0, %get3A_1] : memref<2x1024x128xf32, #tpu.memory_space<vmem>>, vector<1x1024x128xf32>
    %get3A_3 = vector.shape_cast %get3A_2 : vector<1x1024x128xf32> to vector<1024x128xf32>
    %get3A_4 = arith.constant 1 : index
    %get3A_5 = arith.constant 0 : index
    %get3A_6 = arith.constant 0 : index
    %get3A_7 = vector.load %arg1[%get3A_4, %get3A_5, %get3A_6] : memref<2x1024x128xf32, #tpu.memory_space<vmem>>, vector<1x1024x128xf32>
    %get3A_8 = vector.shape_cast %get3A_7 : vector<1x1024x128xf32> to vector<1024x128xf32>
    %add3A = arith.addf %get3A_3, %get3A_8 : vector<1024x128xf32>
    %get3A_9 = arith.constant 0 : index
    %get3A_10 = arith.constant 0 : index
    %get3A_11 = vector.load %arg2[%get3A_9, %get3A_10] : memref<1x128xf32, #tpu.memory_space<vmem>>, vector<1x128xf32>
    %add3A_12 = vector.broadcast %get3A_11 : vector<1x128xf32> to vector<1024x128xf32>
    %add3A_13 = arith.addf %add3A, %add3A_12 : vector<1024x128xf32>
    %max3A = arith.constant 0.000000e+00 : f32
    %max3A_14 = vector.broadcast %max3A : f32 to vector<1024x128xf32>
    %max3A_15 = arith.maximumf %add3A_13, %max3A_14 : vector<1024x128xf32>
    %get3A_16 = arith.constant 0 : index
    %get3A_17 = arith.constant 0 : index
    %get3A_18 = vector.load %arg3[%get3A_16, %get3A_17] : memref<128x128xf32, #tpu.memory_space<vmem>>, vector<128x128xf32>
    %dot_general3A = arith.constant dense<0.000000e+00> : vector<1024x128xf32>
    %dot_general3A_19 = tpu.matmul %max3A_15, %get3A_18, %dot_general3A {dimension_numbers = #tpu.dot_dimension_numbers<[1], [0], [0], [1], [0, 0, 1, 1], [], []>, transpose_lhs_hint = false} : vector<1024x128xf32>, vector<128x128xf32>, vector<1024x128xf32> -> vector<1024x128xf32>
    %swap3A = arith.constant 0 : index
    %swap3A_20 = arith.constant 0 : index
    %swap3A_21 = vector.load %arg4[%swap3A, %swap3A_20] : memref<1024x128xf32, #tpu.memory_space<vmem>>, vector<1024x128xf32>
    tpu.vector_store %arg4[%swap3A, %swap3A_20], %dot_general3A_19 {strides = array<i32>} : memref<1024x128xf32, #tpu.memory_space<vmem>>, vector<1024x128xf32>,
    return
  }
  func.func @transform_0(%arg0: i32) -> (i32, i32, i32) {
    %c0_i32 = arith.constant 0 : i32
    %c0_i32_0 = arith.constant 0 : i32
    %c0_i32_1 = arith.constant 0 : i32
    return %c0_i32, %arg0, %c0_i32_0 : i32, i32, i32
  }
  func.func @transform_1(%arg0: i32) -> (i32, i32) {
    %c0_i32 = arith.constant 0 : i32
    %c0_i32_0 = arith.constant 0 : i32
    %c0_i32_1 = arith.constant 0 : i32
    return %c0_i32, %c0_i32_0 : i32, i32
  }
  func.func @transform_2(%arg0: i32) -> (i32, i32) {
    %c0_i32 = arith.constant 0 : i32
    %c0_i32_0 = arith.constant 0 : i32
    %c0_i32_1 = arith.constant 0 : i32
    return %c0_i32, %c0_i32_0 : i32, i32
  }
  func.func @transform_3(%arg0: i32) -> (i32, i32) {
    %c0_i32 = arith.constant 0 : i32
    %c0_i32_0 = arith.constant 0 : i32
    return %arg0, %c0_i32 : i32, i32
  }
}

module attributes {stable_mosaic.version = 14 : i64} {
  func.func @body(%arg0: i32, %arg1: memref<2x1024x128xf32, #tpu.memory_space<vmem>>, %arg2: memref<1x128xf32, #tpu.memory_space<vmem>>, %arg3: memref<128x128xf32, #tpu.memory_space<vmem>>, %arg4: memref<1x128xf32, #tpu.memory_space<vmem>>, %arg5: memref<1x8x128xi32, #tpu.memory_space<vmem>>, %arg6: memref<64x128xf32, #tpu.memory_space<vmem>>) attributes {dimension_semantics = [#tpu.dimension_semantics<arbitrary>], iteration_bounds = array<i64: 10>, scalar_prefetch = 0 : i64, scratch_operands = 0 : i64, tpu.core_type = #tpu.core_type<tc>, window_params = [{transform_indices = @transform_0, window_bounds = array<i64: 2, 1024, 128>}, {pipeline_mode = #tpu.pipeline_mode<synchronous>, transform_indices = @transform_1, window_bounds = array<i64: 1, 128>}, {pipeline_mode = #tpu.pipeline_mode<synchronous>, transform_indices = @transform_2, window_bounds = array<i64: 128, 128>}, {pipeline_mode = #tpu.pipeline_mode<synchronous>, transform_indices = @transform_3, window_bounds = array<i64: 1, 128>}, {transform_indices = @transform_4, window_bounds = array<i64: 1, 8, 128>}, {pipeline_mode = #tpu.pipeline_mode<synchronous>, transform_indices = @transform_5, window_bounds = array<i64: 64, 128>}]} {
    %get3A = arith.constant 0 : index
    %get3A_0 = arith.constant 0 : index
    %get3A_1 = arith.constant 0 : index
    %get3A_2 = vector.load %arg1[%get3A, %get3A_0, %get3A_1] : memref<2x1024x128xf32, #tpu.memory_space<vmem>>, vector<1x1024x128xf32>
    %get3A_3 = vector.shape_cast %get3A_2 : vector<1x1024x128xf32> to vector<1024x128xf32>
    %get3A_4 = arith.constant 1 : index
    %get3A_5 = arith.constant 0 : index
    %get3A_6 = arith.constant 0 : index
    %get3A_7 = vector.load %arg1[%get3A_4, %get3A_5, %get3A_6] : memref<2x1024x128xf32, #tpu.memory_space<vmem>>, vector<1x1024x128xf32>
    %get3A_8 = vector.shape_cast %get3A_7 : vector<1x1024x128xf32> to vector<1024x128xf32>
    %add3A = arith.addf %get3A_3, %get3A_8 : vector<1024x128xf32>
    %get3A_9 = arith.constant 0 : index
    %get3A_10 = arith.constant 0 : index
    %get3A_11 = vector.load %arg2[%get3A_9, %get3A_10] : memref<1x128xf32, #tpu.memory_space<vmem>>, vector<1x128xf32>
    %add3A_12 = vector.broadcast %get3A_11 : vector<1x128xf32> to vector<1024x128xf32>
    %add3A_13 = arith.addf %add3A, %add3A_12 : vector<1024x128xf32>
    %max3A = arith.constant 0.000000e+00 : f32
    %max3A_14 = vector.broadcast %max3A : f32 to vector<1024x128xf32>
    %max3A_15 = arith.maximumf %add3A_13, %max3A_14 : vector<1024x128xf32>
    %get3A_16 = arith.constant 0 : index
    %get3A_17 = arith.constant 0 : index
    %get3A_18 = vector.load %arg3[%get3A_16, %get3A_17] : memref<128x128xf32, #tpu.memory_space<vmem>>, vector<128x128xf32>
    %dot_general3A = arith.constant dense<0.000000e+00> : vector<1024x128xf32>
    %dot_general3A_19 = tpu.matmul %max3A_15, %get3A_18, %dot_general3A {dimension_numbers = #tpu.dot_dimension_numbers<[1], [0], [0], [1], [0, 0, 1, 1], [], []>, transpose_lhs_hint = false} : vector<1024x128xf32>, vector<128x128xf32>, vector<1024x128xf32> -> vector<1024x128xf32>
    %get3A_20 = arith.constant 0 : index
    %get3A_21 = arith.constant 0 : index
    %get3A_22 = vector.load %arg4[%get3A_20, %get3A_21] : memref<1x128xf32, #tpu.memory_space<vmem>>, vector<1x128xf32>
    %add3A_23 = vector.broadcast %get3A_22 : vector<1x128xf32> to vector<1024x128xf32>
    %add3A_24 = arith.addf %dot_general3A_19, %add3A_23 : vector<1024x128xf32>
    %get3A_25 = arith.constant 0 : index
    %get3A_26 = arith.constant 0 : index
    %get3A_27 = arith.constant 0 : index
    %get3A_28 = vector.load %arg5[%get3A_25, %get3A_26, %get3A_27] : memref<1x8x128xi32, #tpu.memory_space<vmem>>, vector<1x8x128xi32>
    %reshape3A = vector.shape_cast %get3A_28 : vector<1x8x128xi32> to vector<1024xi32>
    %iota3A = tpu.iota {dimensions = array<i32: 0>} : vector<64x1024xi32>
    %broadcast_in_dim3A = vector.shape_cast %reshape3A : vector<1024xi32> to vector<1x1024xi32>
    %eq3A = vector.broadcast %broadcast_in_dim3A : vector<1x1024xi32> to vector<64x1024xi32>
    %eq3A_29 = arith.cmpi eq, %iota3A, %eq3A : vector<64x1024xi32>
    %convert_element_type3A = arith.extui %eq3A_29 : vector<64x1024xi1> to vector<64x1024xi32>
    %convert_element_type3A_30 = arith.sitofp %convert_element_type3A : vector<64x1024xi32> to vector<64x1024xf32>
    %dot_general3A_31 = arith.constant dense<0.000000e+00> : vector<64x128xf32>
    %dot_general3A_32 = tpu.matmul %convert_element_type3A_30, %add3A_24, %dot_general3A_31 {dimension_numbers = #tpu.dot_dimension_numbers<[1], [0], [0], [1], [0, 0, 1, 1], [], []>, precision = #tpu.contract_precision<fp32>, transpose_lhs_hint = false} : vector<64x1024xf32>, vector<1024x128xf32>, vector<64x128xf32> -> vector<64x128xf32>
    %eq3A_33 = arith.constant 0 : i32
    %eq3A_34 = arith.cmpi eq, %arg0, %eq3A_33 : i32
    %convert_element_type3A_35 = arith.extui %eq3A_34 : i1 to i32
    %cond3A = arith.constant 0 : i32
    %cond3A_36 = arith.cmpi ne, %convert_element_type3A_35, %cond3A : i32
    scf.if %cond3A_36 {
      %broadcast_in_dim3A_43 = arith.constant 0.000000e+00 : f32
      %broadcast_in_dim3A_44 = vector.broadcast %broadcast_in_dim3A_43 : f32 to vector<64x128xf32>
      %swap3A_45 = arith.constant 0 : index
      %swap3A_46 = arith.constant 0 : index
      %swap3A_47 = vector.load %arg6[%swap3A_45, %swap3A_46] : memref<64x128xf32, #tpu.memory_space<vmem>>, vector<64x128xf32>
      tpu.vector_store %arg6[%swap3A_45, %swap3A_46], %broadcast_in_dim3A_44 {strides = array<i32>} : memref<64x128xf32, #tpu.memory_space<vmem>>, vector<64x128xf32>,
    } else {
    }
    %get3A_37 = arith.constant 0 : index
    %get3A_38 = arith.constant 0 : index
    %get3A_39 = vector.load %arg6[%get3A_37, %get3A_38] : memref<64x128xf32, #tpu.memory_space<vmem>>, vector<64x128xf32>
    %add3A_40 = arith.addf %get3A_39, %dot_general3A_32 : vector<64x128xf32>
    %swap3A = arith.constant 0 : index
    %swap3A_41 = arith.constant 0 : index
    %swap3A_42 = vector.load %arg6[%swap3A, %swap3A_41] : memref<64x128xf32, #tpu.memory_space<vmem>>, vector<64x128xf32>
    tpu.vector_store %arg6[%swap3A, %swap3A_41], %add3A_40 {strides = array<i32>} : memref<64x128xf32, #tpu.memory_space<vmem>>, vector<64x128xf32>,
    return
  }
  func.func @transform_0(%arg0: i32) -> (i32, i32, i32) {
    %c0_i32 = arith.constant 0 : i32
    %c0_i32_0 = arith.constant 0 : i32
    %c0_i32_1 = arith.constant 0 : i32
    return %c0_i32, %arg0, %c0_i32_0 : i32, i32, i32
  }
  func.func @transform_1(%arg0: i32) -> (i32, i32) {
    %c0_i32 = arith.constant 0 : i32
    %c0_i32_0 = arith.constant 0 : i32
    %c0_i32_1 = arith.constant 0 : i32
    return %c0_i32, %c0_i32_0 : i32, i32
  }
  func.func @transform_2(%arg0: i32) -> (i32, i32) {
    %c0_i32 = arith.constant 0 : i32
    %c0_i32_0 = arith.constant 0 : i32
    %c0_i32_1 = arith.constant 0 : i32
    return %c0_i32, %c0_i32_0 : i32, i32
  }
  func.func @transform_3(%arg0: i32) -> (i32, i32) {
    %c0_i32 = arith.constant 0 : i32
    %c0_i32_0 = arith.constant 0 : i32
    %c0_i32_1 = arith.constant 0 : i32
    return %c0_i32, %c0_i32_0 : i32, i32
  }
  func.func @transform_4(%arg0: i32) -> (i32, i32, i32) {
    %c0_i32 = arith.constant 0 : i32
    %c0_i32_0 = arith.constant 0 : i32
    %c0_i32_1 = arith.constant 0 : i32
    return %arg0, %c0_i32, %c0_i32_0 : i32, i32, i32
  }
  func.func @transform_5(%arg0: i32) -> (i32, i32) {
    %c0_i32 = arith.constant 0 : i32
    %c0_i32_0 = arith.constant 0 : i32
    %c0_i32_1 = arith.constant 0 : i32
    return %c0_i32, %c0_i32_0 : i32, i32
  }
}

module attributes {stable_mosaic.version = 14 : i64} {
  func.func @body(%arg0: memref<64x128xf32, #tpu.memory_space<vmem>>, %arg1: memref<128x128xf32, #tpu.memory_space<vmem>>, %arg2: memref<1x128xf32, #tpu.memory_space<vmem>>, %arg3: memref<128x2xf32, #tpu.memory_space<vmem>>, %arg4: memref<1x2xf32, #tpu.memory_space<vmem>>, %arg5: memref<128x128xf32, #tpu.memory_space<vmem>>, %arg6: memref<1x128xf32, #tpu.memory_space<vmem>>, %arg7: memref<128x128xf32, #tpu.memory_space<vmem>>, %arg8: memref<1x128xf32, #tpu.memory_space<vmem>>, %arg9: memref<64x2xf32, #tpu.memory_space<vmem>>, %arg10: memref<64x128xf32, #tpu.memory_space<vmem>>) attributes {dimension_semantics = [], scalar_prefetch = 0 : i64, scratch_operands = 0 : i64, tpu.core_type = #tpu.core_type<tc>} {
    %get3A = arith.constant 0 : index
    %get3A_0 = arith.constant 0 : index
    %get3A_1 = vector.load %arg0[%get3A, %get3A_0] : memref<64x128xf32, #tpu.memory_space<vmem>>, vector<64x128xf32>
    %get3A_2 = arith.constant 0 : index
    %get3A_3 = arith.constant 0 : index
    %get3A_4 = vector.load %arg1[%get3A_2, %get3A_3] : memref<128x128xf32, #tpu.memory_space<vmem>>, vector<128x128xf32>
    %dot_general3A = arith.constant dense<0.000000e+00> : vector<64x128xf32>
    %dot_general3A_5 = tpu.matmul %get3A_1, %get3A_4, %dot_general3A {dimension_numbers = #tpu.dot_dimension_numbers<[1], [0], [0], [1], [0, 0, 1, 1], [], []>, transpose_lhs_hint = false} : vector<64x128xf32>, vector<128x128xf32>, vector<64x128xf32> -> vector<64x128xf32>
    %get3A_6 = arith.constant 0 : index
    %get3A_7 = arith.constant 0 : index
    %get3A_8 = vector.load %arg2[%get3A_6, %get3A_7] : memref<1x128xf32, #tpu.memory_space<vmem>>, vector<1x128xf32>
    %add3A = vector.broadcast %get3A_8 : vector<1x128xf32> to vector<64x128xf32>
    %add3A_9 = arith.addf %dot_general3A_5, %add3A : vector<64x128xf32>
    %logistic3A = arith.negf %add3A_9 : vector<64x128xf32>
    %logistic3A_10 = math.exp %logistic3A : vector<64x128xf32>
    %logistic3A_11 = arith.constant 1.000000e+00 : f32
    %logistic3A_12 = vector.broadcast %logistic3A_11 : f32 to vector<64x128xf32>
    %logistic3A_13 = arith.addf %logistic3A_12, %logistic3A_10 : vector<64x128xf32>
    %logistic3A_14 = arith.divf %logistic3A_12, %logistic3A_13 : vector<64x128xf32>
    %get3A_15 = arith.constant 0 : index
    %get3A_16 = arith.constant 0 : index
    %get3A_17 = vector.load %arg3[%get3A_15, %get3A_16] : memref<128x2xf32, #tpu.memory_space<vmem>>, vector<128x2xf32>
    %dot_general3A_18 = arith.constant dense<0.000000e+00> : vector<64x2xf32>
    %dot_general3A_19 = tpu.matmul %logistic3A_14, %get3A_17, %dot_general3A_18 {dimension_numbers = #tpu.dot_dimension_numbers<[1], [0], [0], [1], [0, 0, 1, 1], [], []>, transpose_lhs_hint = false} : vector<64x128xf32>, vector<128x2xf32>, vector<64x2xf32> -> vector<64x2xf32>
    %get3A_20 = arith.constant 0 : index
    %get3A_21 = arith.constant 0 : index
    %get3A_22 = vector.load %arg4[%get3A_20, %get3A_21] : memref<1x2xf32, #tpu.memory_space<vmem>>, vector<1x2xf32>
    %add3A_23 = vector.broadcast %get3A_22 : vector<1x2xf32> to vector<64x2xf32>
    %add3A_24 = arith.addf %dot_general3A_19, %add3A_23 : vector<64x2xf32>
    %reduce_max3A = arith.constant dense<0xFF800000> : vector<64xf32>
    %reduce_max3A_25 = vector.multi_reduction <maximumf>, %add3A_24, %reduce_max3A [1] : vector<64x2xf32> to vector<64xf32>
    %broadcast_in_dim3A = vector.shape_cast %reduce_max3A_25 : vector<64xf32> to vector<64x1xf32>
    %sub3A = vector.broadcast %broadcast_in_dim3A : vector<64x1xf32> to vector<64x2xf32>
    %sub3A_26 = arith.subf %add3A_24, %sub3A : vector<64x2xf32>
    %exp3A = math.exp %sub3A_26 : vector<64x2xf32>
    %reduce_sum3A = arith.constant dense<0.000000e+00> : vector<64xf32>
    %reduce_sum3A_27 = vector.multi_reduction <add>, %exp3A, %reduce_sum3A [1] : vector<64x2xf32> to vector<64xf32>
    %broadcast_in_dim3A_28 = vector.shape_cast %reduce_sum3A_27 : vector<64xf32> to vector<64x1xf32>
    %div3A = vector.broadcast %broadcast_in_dim3A_28 : vector<64x1xf32> to vector<64x2xf32>
    %div3A_29 = arith.divf %exp3A, %div3A : vector<64x2xf32>
    %swap3A = arith.constant 0 : index
    %swap3A_30 = arith.constant 0 : index
    %swap3A_31 = vector.load %arg9[%swap3A, %swap3A_30] : memref<64x2xf32, #tpu.memory_space<vmem>>, vector<64x2xf32>
    tpu.vector_store %arg9[%swap3A, %swap3A_30], %div3A_29 {strides = array<i32>} : memref<64x2xf32, #tpu.memory_space<vmem>>, vector<64x2xf32>,
    %get3A_32 = arith.constant 0 : index
    %get3A_33 = arith.constant 0 : index
    %get3A_34 = vector.load %arg5[%get3A_32, %get3A_33] : memref<128x128xf32, #tpu.memory_space<vmem>>, vector<128x128xf32>
    %dot_general3A_35 = arith.constant dense<0.000000e+00> : vector<64x128xf32>
    %dot_general3A_36 = tpu.matmul %get3A_1, %get3A_34, %dot_general3A_35 {dimension_numbers = #tpu.dot_dimension_numbers<[1], [0], [0], [1], [0, 0, 1, 1], [], []>, transpose_lhs_hint = false} : vector<64x128xf32>, vector<128x128xf32>, vector<64x128xf32> -> vector<64x128xf32>
    %get3A_37 = arith.constant 0 : index
    %get3A_38 = arith.constant 0 : index
    %get3A_39 = vector.load %arg6[%get3A_37, %get3A_38] : memref<1x128xf32, #tpu.memory_space<vmem>>, vector<1x128xf32>
    %add3A_40 = vector.broadcast %get3A_39 : vector<1x128xf32> to vector<64x128xf32>
    %add3A_41 = arith.addf %dot_general3A_36, %add3A_40 : vector<64x128xf32>
    %logistic3A_42 = arith.negf %add3A_41 : vector<64x128xf32>
    %logistic3A_43 = math.exp %logistic3A_42 : vector<64x128xf32>
    %logistic3A_44 = arith.constant 1.000000e+00 : f32
    %logistic3A_45 = vector.broadcast %logistic3A_44 : f32 to vector<64x128xf32>
    %logistic3A_46 = arith.addf %logistic3A_45, %logistic3A_43 : vector<64x128xf32>
    %logistic3A_47 = arith.divf %logistic3A_45, %logistic3A_46 : vector<64x128xf32>
    %get3A_48 = arith.constant 0 : index
    %get3A_49 = arith.constant 0 : index
    %get3A_50 = vector.load %arg7[%get3A_48, %get3A_49] : memref<128x128xf32, #tpu.memory_space<vmem>>, vector<128x128xf32>
    %dot_general3A_51 = arith.constant dense<0.000000e+00> : vector<64x128xf32>
    %dot_general3A_52 = tpu.matmul %logistic3A_47, %get3A_50, %dot_general3A_51 {dimension_numbers = #tpu.dot_dimension_numbers<[1], [0], [0], [1], [0, 0, 1, 1], [], []>, transpose_lhs_hint = false} : vector<64x128xf32>, vector<128x128xf32>, vector<64x128xf32> -> vector<64x128xf32>
    %get3A_53 = arith.constant 0 : index
    %get3A_54 = arith.constant 0 : index
    %get3A_55 = vector.load %arg8[%get3A_53, %get3A_54] : memref<1x128xf32, #tpu.memory_space<vmem>>, vector<1x128xf32>
    %add3A_56 = vector.broadcast %get3A_55 : vector<1x128xf32> to vector<64x128xf32>
    %add3A_57 = arith.addf %dot_general3A_52, %add3A_56 : vector<64x128xf32>
    %swap3A_58 = arith.constant 0 : index
    %swap3A_59 = arith.constant 0 : index
    %swap3A_60 = vector.load %arg10[%swap3A_58, %swap3A_59] : memref<64x128xf32, #tpu.memory_space<vmem>>, vector<64x128xf32>
    tpu.vector_store %arg10[%swap3A_58, %swap3A_59], %add3A_57 {strides = array<i32>} : memref<64x128xf32, #tpu.memory_space<vmem>>, vector<64x128xf32>,
    return
  }
}

</mosaic_0001>

<sc_bundles>
// kernel: kernel.11.cloned.1.call-start
scs
__scs_entry_jumppad:
0x0: {  	(pc) =	sbr.rel $0x88, $3  }
0x1: {  	(tag) =	ssettag $0x0;
	lr =	simm.s32 $0x1  }
0x2: {  	[smem:$0x3F92] =	sst lr;
	_ =	strace $0xD0000000  }
0x3: {  	_ = 	snop  }
0x4: {  	_ = 	snop  }
0x5: {  	_ = 	snop  }
0x6: {  	_ = 	snop  }
0x7: {  	_ = 	snop  }
__scs_overlays_trampoline_lowered:
0x8: {  	[smem:$0x3FA1] =	sst s0  }
0x9: {  	[smem:$0x3FA2] =	sst s1  }
0xa: {  	[smem:$0x3FA3] =	sst s2  }
0xb: {  	[smem:$0x3FA4] =	sst s3  }
0xc: {  	[smem:$0x3FA5] =	sst s4  }
0xd: {  	[smem:$0x3FA6] =	sst s5  }
0xe: {  	[smem:$0x3FA7] =	sst s6  }
0xf: {  	[smem:$0x3FA8] =	sst s7  }
0x10: {  	[smem:$0x3FA9] =	sst s8  }
0x11: {  	[smem:$0x3FAA] =	sst s9;
	s0 =	simm.s32 @!p0 $0x0  }
0x12: {  	s1 =	sld [smem:$0x3F90];
	s0 =	simm.s32 @p0 $0x1  }
0x13: {  	[smem:$0x3FAB] =	sst s0;
	s0 =	simm.s32 @!p1 $0x0  }
0x14: {  	s2 =	sld [smem:$0x3F8F];
	s0 =	simm.s32 @p1 $0x1  }
0x15: {  	[smem:$0x3FAC] =	sst s0;
	s0 =	simm.s32 @!p2 $0x0  }
0x16: {  	s3 =	sld [smem:$0x3FDB];
	s0 =	simm.s32 @p2 $0x1  }
0x17: {  	s4 =	simm.s32 $0x1BF5;
	[smem:$0x3FAE] =	sst s0  }
0x18: {  	s0 =	sld [smem:$0x3F91];
	_ =	swait.ge [sflag:s4], $0x0  }
0x19: {  	s7 =	sld [smem:$0x3F92]  }
0x1a: {  	s8 =	sadd.s32 $0xFFFFE003, lr  }
0x1b: {  	s9 =	sadd.s32 $0xFFFFFEF7, lr;
	s5 =	simm.s32 $0xFFFFFFFF;
	p2 =	slt.u32 s8, $0xFFFFF086  }
0x1c: {  	p1 =	slt.u32 s9, $0xF7A;
	s5 =	simm.s32 @!p2 $0x0  }
0x1d: {  	s5 =	simm.s32 @p1 $0x1;
	p0 =	seq.s32 s7, s2  }
0x1e: {  	s7 =	smul.u32 @!p0 $0xF7A, s2;
	p2 =	seq.s32 @!p0 s5, $0x0  }
0x1f: {  	s9 =	smul.u32 $0xF7A, s1;
	s8 =	simm.s32 @!p0 $0x1BF5;
	p2 =	por !p2, p0  }
0x20: {  	[sflag:s8] =	ssyncset.s32 @!p0 $0xFFFFF086;
	s6 =	sadd.s32 @!p0 s3, s7;
	s7 =	simm.s32 @!p0 $0x108  }
0x21: {  	s3 =	sadd.s32 s3, s9;
	s6 =	sadd.s32 @!p0 $0x88, s6;
	s7 =	simm.s32 @p2 $0x1082  }
0x22: {  	[simem:s7], [sflag:s8] =	dma.local @!p0 [hbm:s6], $0xF7A  }
0x23: {  	s9 =	sor.u32 $0xD0000000, s2;
	s6 =	simm.s32 $0x108;
	_ =	swait.ge @!p0 [sflag:s8], $0x0  }
0x24: {  	s3 =	sadd.s32 $0x88, s3;
	s6 =	simm.s32 @!p1 $0x1082;
	[sflag:s4] =	ssyncset.s32 $0xFFFFF086  }
0x25: {  	[simem:s6], [sflag:s4] =	dma.local [hbm:s3], $0xF7A  }
0x26: {  	[smem:$0x3F92] =	sst s1;
	(tag) =	ssettag s2;
	_ =	strace s9  }
0x27: {  	s1 =	sld [smem:$0x3FA2]  }
0x28: {  	s2 =	sld [smem:$0x3FA3]  }
0x29: {  	s4 =	sld [smem:$0x3FA5]  }
0x2a: {  	p0 =	seq.s32 s5, $0x0;
	s5 =	sld [smem:$0x3FA6]  }
0x2b: {  	s6 =	sld [smem:$0x3FA7]  }
0x2c: {  	s7 =	sld [smem:$0x3FA8]  }
0x2d: {  	s3 =	simm.s32 $0x108;
	s8 =	sld [smem:$0x3FA9]  }
0x2e: {  	s3 =	simm.s32 @!p0 $0x1082;
	s9 =	sld [smem:$0x3FAA]  }
0x2f: {  	lr =	sadd.s32 s0, s3;
	s0 =	sld [smem:$0x3FA1]  }
0x30: {  	s3 =	sld [smem:$0x3FA4]  }
0x31: {  	[smem:$0x3FAD] =	sst s10  }
0x32: {  	s10 =	sld [smem:$0x3FAB];
	_ =	sdelay $0x3  }
0x33: {  	p0 =	seq.s32 s10, $0x1;
	s10 =	sld [smem:$0x3FAD];
	_ =	sdelay $0x3  }
0x34: {  	[smem:$0x3FAD] =	sst s10  }
0x35: {  	s10 =	sld [smem:$0x3FAC];
	_ =	sdelay $0x3  }
0x36: {  	p1 =	seq.s32 s10, $0x1;
	s10 =	sld [smem:$0x3FAD];
	_ =	sdelay $0x3  }
0x37: {  	[smem:$0x3FAD] =	sst s10  }
0x38: {  	s10 =	sld [smem:$0x3FAE]  }
0x39: {  	_ = 	snop;
	(pc) =	sbr.ind lr, $3  }
0x3a: {  	_ = 	snop  }
0x3b: {  	_ = 	snop  }
0x3c: {  	p2 =	seq.s32 s10, $0x1;
	s10 =	sld [smem:$0x3FAD]  }
0x3d: {  	_ =	shalt  }
0x3e: {  	_ =	shalt  }
0x3f: {  	_ =	shalt  }
0x40: {  	_ =	shalt  }
0x41: {  	_ =	shalt  }
0x42: {  	_ =	shalt  }
0x43: {  	_ =	shalt  }
0x44: {  	_ =	shalt  }
0x45: {  	_ =	shalt  }
0x46: {  	_ =	shalt  }
0x47: {  	_ =	shalt  }
0x48: {  	_ =	shalt  }
0x49: {  	_ =	shalt  }
0x4a: {  	_ =	shalt  }
0x4b: {  	_ =	shalt  }
0x4c: {  	_ =	shalt  }
0x4d: {  	_ =	shalt  }
0x4e: {  	_ =	shalt  }
0x4f: {  	_ =	shalt  }
0x50: {  	_ =	shalt  }
0x51: {  	_ =	shalt  }
0x52: {  	_ =	shalt  }
0x53: {  	_ =	shalt  }
0x54: {  	_ =	shalt  }
0x55: {  	_ =	shalt  }
0x56: {  	_ =	shalt  }
0x57: {  	_ =	shalt  }
0x58: {  	_ =	shalt  }
0x59: {  	_ =	shalt  }
0x5a: {  	_ =	shalt  }
0x5b: {  	_ =	shalt  }
0x5c: {  	_ =	shalt  }
0x5d: {  	_ =	shalt  }
0x5e: {  	_ =	shalt  }
0x5f: {  	_ =	shalt  }
0x60: {  	_ =	shalt  }
0x61: {  	_ =	shalt  }
0x62: {  	_ =	shalt  }
0x63: {  	_ =	shalt  }
0x64: {  	_ =	shalt  }
0x65: {  	_ =	shalt  }
0x66: {  	_ =	shalt  }
0x67: {  	_ =	shalt  }
0x68: {  	_ =	shalt  }
0x69: {  	_ =	shalt  }
0x6a: {  	_ =	shalt  }
0x6b: {  	_ =	shalt  }
0x6c: {  	_ =	shalt  }
0x6d: {  	_ =	shalt  }
0x6e: {  	_ =	shalt  }
0x6f: {  	_ =	shalt  }
0x70: {  	_ =	shalt  }
0x71: {  	_ =	shalt  }
0x72: {  	_ =	shalt  }
0x73: {  	_ =	shalt  }
0x74: {  	_ =	shalt  }
0x75: {  	_ =	shalt  }
0x76: {  	_ =	shalt  }
0x77: {  	_ =	shalt  }
0x78: {  	_ =	shalt  }
0x79: {  	_ =	shalt  }
0x7a: {  	_ =	shalt  }
0x7b: {  	_ =	shalt  }
0x7c: {  	_ =	shalt  }
0x7d: {  	_ =	shalt  }
0x7e: {  	_ =	shalt  }
0x7f: {  	_ =	shalt  }
0x80: {  	_ =	shalt  }
0x81: {  	_ =	shalt  }
0x82: {  	_ =	shalt  }
0x83: {  	_ =	shalt  }
0x84: {  	_ =	shalt  }
0x85: {  	_ =	shalt  }
0x86: {  	_ =	shalt  }
0x87: {  	_ =	shalt  }
.Lfunc_end0:
.L_simem_size_0:
called_computation.1_lowered:
.L_overlay_start_0:
0x88: {  	s2 =	sld [smem:$0x3FD9]  }
0x89: {  	s3 =	sld [smem:$0x3FFE];
	_ =	sdelay $0x1  }
0x8a: {  	s1 =	srdreg.scid  }
0x8b: {  	s0 =	sand.u32 $0x1, s1  }
0x8c: {  	s16 =	sshll.u32 s0, $0xA;
	s2 =	sadd.s32 s3, s2  }
0x8d: {  	s2 =	sadd.s32 s2, s16  }
0x8e: {  	[smem:$0x3FB9] =	sst s2  }
0x8f: {  	_ = 	snop  }
0x90: {  	(tm) =	ssettm $0x1  }
0x91: {  	s17 =	sld [smem:$0x3FFB];
	_ =	sdelay $0x3  }
0x92: {  	_ =	strace s17  }
0x93: {  	s2 =	sld [smem:$0x3FFC];
	_ =	sdelay $0x3  }
0x94: {  	_ =	strace s2  }
0x95: {  	s2 =	sld [smem:$0x3FFD];
	_ =	sdelay $0x3  }
0x96: {  	_ =	strace s2  }
0x97: {  	_ =	strace $0x8FFFFFFF  }
0x98: {  	s18 =	sld [smem:$0x3FDB];
	_ =	sdelay $0x1  }
0x99: {  	s19 =	simm.s32 $_scs_section_size  }
0x9a: {  	s4 =	simm.s32 $_size__tile_overlayer_lowered;
	s5 =	simm.s32 $_tile_overlayer_lowered  }
0x9b: {  	s22 =	simm.s32 $0x1BFF;
	s21 =	sshll.u32 s5, $0x1;
	s2 =	sadd.s32 s19, s18  }
0x9c: {  	s6 =	simm.s32 $0x0;
	s20 =	sshll.u32 s4, $0x1;
	s4 =	sadd.s32 s21, s2  }
0x9d: {  	[timem:s6], [sflag:s22] =	dma.local [hbm:s4], s20  }
0x9e: {  	_ =	swait.ge [sflag:s22], s20  }
0x9f: {  	s3 =	ssub.s32 $0x0, s20;
	[sflag:s22] =	ssyncset.done $0x0  }
0xa0: {  	[sflag:s22] =	ssyncadd.s32 s3;
	_ =	sdelay $0x1  }
0xa1: {  	s23 =	simm.s32 $0x1B8B  }
0xa2: {  	_ =	swait.ge [sflag:s23], $0x1  }
0xa3: {  	[sflag:s23] =	ssyncset.done $0x0  }
0xa4: {  	s25 =	simm.s32 $0x1B8E;
	s24 =	sld [smem:$0x3FFE];
	[sflag:s23] =	ssyncadd.s32 $0xFFFFFFFF  }
0xa5: {  	s26 =	simm.s32 $execute0_lowered;
	[smem:$0x3FD2] =	sst s25  }
0xa6: {  	s4 =	sshll.u32 s26, $0x1;
	_ =	strace $0x80000049;
	[dreg:$0x1] =	wrdreg $0xFFFFFFFF  }
0xa7: {  	s28 =	simm.s32 $_size_execute0_lowered;
	s2 =	sadd.s32 s2, s4;
	[dreg:$0x0] =	wrdreg $0x0  }
0xa8: {  	s4 =	sshll.u32 s28, $0x1;
	[dreg:$0x2] =	wrdreg s2  }
0xa9: {  	[dreg:$0x3] =	wrdreg s4  }
0xaa: {  	[dreg:$0x4] =	wrdreg $0xC0  }
0xab: {  	_ =	task [dreg:s6], $0x5FFFF  }
0xac: {  	[dreg:$0x1] =	wrdreg $0xFFFFFFFF  }
0xad: {  	[dreg:$0x0] =	wrdreg $0x60  }
0xae: {  	[dreg:$0x2] =	wrdreg s24  }
0xaf: {  	[dreg:$0x3] =	wrdreg $0x90000  }
0xb0: {  	[dreg:$0x4] =	wrdreg $0x9  }
0xb1: {  	_ =	task.clear_ibuf [dreg:s6], $0x5FFFF;
	_ =	strace $0x90000049  }
0xb2: {  	s29 =	simm.s32 $0x9;
	_ =	strace $0x8000004B  }
0xb3: {  	_ =	swait.ge [sflag:s29], $0x1  }
0xb4: {  	[sflag:s29] =	ssyncadd.s32 $0xFFFFFFFF  }
0xb5: {  	_ =	strace $0x9000004B  }
0xb6: {  	_ =	sfence  }
0xb7: {  	s30 =	sld [smem:$0x0];
	_ =	sdelay $0x2  }
0xb8: {  	s31 =	sshll.u32 s1, $0xD;
	s1 =	sshrl.u32 s1, $0x2  }
0xb9: {  	s3 =	sand.u32 $0x4000, s31;
	s1 =	sadd.s32 s1, s30  }
0xba: {  	s0 =	sor.u32 s3, s0;
	s1 =	sshll.u32 s1, $0x11  }
0xbb: {  	s0 =	sor.u32 s1, s0  }
0xbc: {  	s0 =	sadd.s32 $0x8F2B, s0  }
0xbd: {  	[sflag:s0] =	ssyncadd.remote.s32 $0x1  }
0xbe: {  	_ =	sfence.sel $0xFFFF  }
0xbf: {  	[dreg:$0x0] =	wrdreg $0xFFFFFFFF;
	(pc) =	sbr.abs _section_cstart, $3  }
0xc0: {  	[dreg:$0x1] =	wrdreg $0xFFFFFFFF  }
0xc1: {  	_ =	task.clear_ibuf [dreg:s6], $0x2FFFF;
	_ =	strace $0x9FFFFFFF  }
0xc2: {  	(tm) =	ssettm $0x7FFFFFFF  }
0xc3: {  	_ =	shalt  }
tec
execute0_lowered:
.L_overlay_start_1:
0x0: {  	(tag) =	ssettag $0x1  }
0x1: {  	s1 =	srdreg.scid  }
0x2: {  	s0 =	stileid.u32;
	s6 =	rddreg [dreg:$0x0]  }
0x3: {  	s2 =	rddreg [dreg:$0x1];
	s3 =	simm.s32 $0x0;
	s14 =	simm.s32 $0x80  }
0x4: {  	s15 =	simm.s32 $0x5000;
	s16 =	simm.s32 $0x1;
	s17 =	simm.s32 $0x0  }
0x5: {  	s5 =	sand.u32 $0x1, s1;
	s29 =	sshll.u32 s0, $0x1;
	s9 =	smul.u32 $0x14000, s0  }
0x6: {  	[smem:$0x7FF] =	sst s3;
	s4 =	sadd.s32 $0x17000, s6;
	s11 =	smul.u32 $0x50000, s0  }
0x7: {  	s12 =	sshll.u32 s0, $0x6;
	s1 =	sor.u32 s5, s29;
	s8 =	smul.u32 $0x140000, s5  }
0x8: {  	s30 =	ssub.s32 $0x2, s5;
	s5 =	sadd.s32 $0x3F000, s6;
	s12 =	sor.u32 $0x1C02, s12  }
0x9: {  	s7 =	smul.u32 $0x500, s1;
	s1 =	rddreg [dreg:$0x2];
	_ =	strace $0x8000004A  }
0xa: {  	s10 =	sshrl.u32 s30, $0x1;
	s31 =	sshrl.u32 s11, $0x2;
	s11 =	simm.s32 $0x2800  }
0xb: {  	s8 =	sadd.s32 s9, s8;
	s9 =	ssub.s32 s30, s10;
	s13 =	sadd.s32 s31, s2  }
0xc: {  	s10 =	simm.s32 $0x2;
	s7 =	sadd.s32 s7, s6;
	s8 =	sshrl.u32 s8, $0x3  }
0xd: {  	s9 =	smax.u32 s9, $0x1;
	s13 =	sshrl.u32 s13, $0x3;
	s8 =	sadd.s32 s8, s6  }
0xe: {  	s6 =	sadd.s32 $0x3000, s7;
	s7 =	sadd.s32 $0xD000, s7;
	s8 =	sadd.s32 $0x41800, s8  }
.LBB2_1:
0xf: {  	[tilespmem:s3], [sflag:$0x2] =	stream.linear.gather [hbm4b:s6+s3], $0x2780, $0x38;
	[tilespmem:$0x1D000] =	vst v63  }
0x10: {  	_ =	swait.ge [sflag:s10], $0x2780  }
0x11: {  	[sflag:s10] =	ssyncset.done $0x0  }
0x12: {  	[sflag:s10] =	ssyncadd.s32 $0xFFFFD880  }
0x13: {  	[tilespmem:s11], [sflag:$0x2] =	stream.linear.gather [hbm4b:s7+s3], $0x2780, $0x38;
	[tilespmem:$0x1D000] =	vst v63  }
0x14: {  	_ =	swait.ge [sflag:s10], $0x2780  }
0x15: {  	[sflag:s10] =	ssyncset.done $0x0  }
0x16: {  	[sflag:s10] =	ssyncadd.s32 $0xFFFFD880  }
0x17: {  	[spmem:s13], [sflag:s12] =	dma.local [hbm:s5], $0x2800  }
0x18: {  	_ =	swait.ge [sflag:s10], $0x2800  }
0x19: {  	[sflag:s10] =	ssyncset.done $0x0  }
0x1a: {  	[sflag:s10] =	ssyncadd.s32 $0xFFFFD800  }
0x1b: {  	s18 =	simm.s32 $0x0;
	[bflag:$0x0] =	sbarrier.arrive $0xFFFF  }
0x1c: {  	[tilespmem:s15], [sflag:$0x1] =	stream.indirect.gather [hbm4b:s4+s14], $0x80, s18, s14, $0xb8;
	[tilespmem:$0x1D000] =	vst v63  }
0x1d: {  	_ =	swait.ge [sflag:s16], $0x4000  }
0x1e: {  	[sflag:s16] =	ssyncset.done $0x0  }
0x1f: {  	s31 =	simm.s32 $0x2800;
	[sflag:s16] =	ssyncadd.s32 $0xFFFFC000  }
0x20: {  	[spmem:s2] =	stream.indirect.scatter.add.f32 [tilespmem:s15], [sflag:$0x2], $0x80, s31, s14, $0xb8;
	[tilespmem:$0x1D000] =	vst v63  }
0x21: {  	_ =	swait.ge [sflag:s10], $0x4000  }
0x22: {  	s19 =	simm.s32 $0x400;
	s18 =	simm.s32 $0x200;
	[sflag:s10] =	ssyncset.done $0x0  }
.LBB2_2:
0x23: {  	s20 =	sshra.s32 s18, $0x2  }
0x24: {  	[sflag:s10] =	ssyncadd.s32 $0xFFFFC000;
	s18 =	smov.u32 s19;
	s21 =	sadd.s32 $0x200, s19  }
0x25: {  	[tilespmem:s15], [sflag:$0x1] =	stream.indirect.gather [hbm4b:s4+s14], $0x80, s20, s14, $0xb8;
	[tilespmem:$0x1D000] =	vst v63  }
0x26: {  	p0 =	sne.s32 s19, $0x9C00;
	_ =	swait.ge [sflag:s16], $0x4000  }
.Ltmp0:
0x27: {  	[sflag:s16] =	ssyncset.done $0x0;
	(pc) =	sbr.rel @p0 .LBB2_2-.Ltmp0, $4  }
0x28: {  	s19 =	sadd.s32 $0x2800, s20;
	[sflag:s16] =	ssyncadd.s32 $0xFFFFC000  }
0x29: {  	[spmem:s2] =	stream.indirect.scatter.add.f32 [tilespmem:s15], [sflag:$0x2], $0x80, s19, s14, $0xb8;
	[tilespmem:$0x1D000] =	vst v63  }
0x2a: {  	_ =	swait.ge [sflag:s10], $0x4000  }
0x2b: {  	s19 =	smov.u32 s21;
	[sflag:s10] =	ssyncset.done $0x0  }
0x2c: {  	s18 =	sshra.s32 s18, $0x2;
	[sflag:s10] =	ssyncadd.s32 $0xFFFFC000  }
0x2d: {  	[tilespmem:s15], [sflag:$0x1] =	stream.indirect.gather [hbm4b:s4+s14], $0x80, s18, s14, $0xb8;
	[tilespmem:$0x1D000] =	vst v63  }
0x2e: {  	_ =	swait.ge [sflag:s16], $0x4000  }
0x2f: {  	[sflag:s16] =	ssyncset.done $0x0  }
0x30: {  	s18 =	sadd.s32 $0x2800, s18;
	[sflag:s16] =	ssyncadd.s32 $0xFFFFC000  }
0x31: {  	[spmem:s2] =	stream.indirect.scatter.add.f32 [tilespmem:s15], [sflag:$0x2], $0x80, s18, s14, $0xb8;
	[tilespmem:$0x1D000] =	vst v63  }
0x32: {  	_ =	swait.ge [sflag:s10], $0x4000  }
0x33: {  	s17 =	sadd.s32 $0x1, s17;
	[sflag:s10] =	ssyncset.done $0x0  }
0x34: {  	p0 =	sne.s32 s17, s9;
	[sflag:s10] =	ssyncadd.s32 $0xFFFFC000  }
.Ltmp1:
0x35: {  	[bflag:$0x0] =	sbarrier.arrive $0xFFFF;
	(pc) =	sbr.rel @p0 .LBB2_1-.Ltmp1, $4  }
0x36: {  	[hbm:s8], [sflag:s12] =	dma.local [spmem:s13], $0x2800  }
0x37: {  	_ =	swait.ge [sflag:s10], $0x2800  }
0x38: {  	[sflag:s10] =	ssyncset.done $0x0  }
0x39: {  	[sflag:s10] =	ssyncadd.s32 $0xFFFFD800  }
0x3a: {  	_ =	sfence.sel $0x180000  }
0x3b: {  	[bflag:$0x0] =	sbarrier.arrive $0xFFFF  }
0x3c: {  	p0 =	sne.s32 s0, $0x0;
	_ =	strace $0x9000004A  }
0x3d: {  	s0 =	sadd.s32 @!p0 $0x100000, s1;
	[bflag:$0x2] =	sbarrier.arrive $0xFFFF  }
0x3e: {  	[sflag:s0] =	ssyncadd.tile.s32 @!p0 $0x1;
	_ =	shalt  }
.Lfunc_end2:
_tile_overlayer_lowered:
.L_overlay_start_2:
0x3f: {  	(tag) =	ssettag $0x2  }
0x40: {  	s0 =	rddreg [dreg:$0x0];
	s2 =	stileid.u32  }
0x41: {  	s1 =	rddreg [dreg:$0x1];
	p0 =	sne.s32 s2, $0x0  }
0x42: {  	s3 =	rddreg [dreg:$0x2];
	[bflag:$0x3] =	sbarrier.arrive $0xFFFF;
	s2 =	simm.s32 @!p0 $0x1C02  }
0x43: {  	[timem:s3], [sflag:s2] =	dma.local @!p0 [hbm:s0], s1  }
0x44: {  	s0 =	simm.s32 @!p0 $0x2  }
0x45: {  	_ =	swait.ge @!p0 [sflag:s0], s1  }
0x46: {  	s1 =	ssub.s32 @!p0 $0x0, s1;
	[sflag:s0] =	ssyncset.done @!p0 $0x0  }
0x47: {  	[sflag:s0] =	ssyncadd.s32 @!p0 s1  }
0x48: {  	[bflag:$0x3] =	sbarrier.arrive $0xFFFF  }
0x49: {  	_ =	shalt  }

// kernel: kernel.8.cloned.1.call-start
scs
__scs_entry_jumppad:
0x0: {  	(pc) =	sbr.rel $0x88, $3  }
0x1: {  	(tag) =	ssettag $0x0;
	lr =	simm.s32 $0x1  }
0x2: {  	[smem:$0x3F92] =	sst lr;
	_ =	strace $0xD0000000  }
0x3: {  	_ = 	snop  }
0x4: {  	_ = 	snop  }
0x5: {  	_ = 	snop  }
0x6: {  	_ = 	snop  }
0x7: {  	_ = 	snop  }
__scs_overlays_trampoline_lowered:
0x8: {  	[smem:$0x3FA1] =	sst s0  }
0x9: {  	[smem:$0x3FA2] =	sst s1  }
0xa: {  	[smem:$0x3FA3] =	sst s2  }
0xb: {  	[smem:$0x3FA4] =	sst s3  }
0xc: {  	[smem:$0x3FA5] =	sst s4  }
0xd: {  	[smem:$0x3FA6] =	sst s5  }
0xe: {  	[smem:$0x3FA7] =	sst s6  }
0xf: {  	[smem:$0x3FA8] =	sst s7  }
0x10: {  	[smem:$0x3FA9] =	sst s8  }
0x11: {  	[smem:$0x3FAA] =	sst s9;
	s0 =	simm.s32 @!p0 $0x0  }
0x12: {  	s1 =	sld [smem:$0x3F90];
	s0 =	simm.s32 @p0 $0x1  }
0x13: {  	[smem:$0x3FAB] =	sst s0;
	s0 =	simm.s32 @!p1 $0x0  }
0x14: {  	s2 =	sld [smem:$0x3F8F];
	s0 =	simm.s32 @p1 $0x1  }
0x15: {  	[smem:$0x3FAC] =	sst s0;
	s0 =	simm.s32 @!p2 $0x0  }
0x16: {  	s3 =	sld [smem:$0x3FDB];
	s0 =	simm.s32 @p2 $0x1  }
0x17: {  	s4 =	simm.s32 $0x1BF5;
	[smem:$0x3FAE] =	sst s0  }
0x18: {  	s0 =	sld [smem:$0x3F91];
	_ =	swait.ge [sflag:s4], $0x0  }
0x19: {  	s7 =	sld [smem:$0x3F92]  }
0x1a: {  	s8 =	sadd.s32 $0xFFFFE003, lr  }
0x1b: {  	s9 =	sadd.s32 $0xFFFFFEF7, lr;
	s5 =	simm.s32 $0xFFFFFFFF;
	p2 =	slt.u32 s8, $0xFFFFF086  }
0x1c: {  	p1 =	slt.u32 s9, $0xF7A;
	s5 =	simm.s32 @!p2 $0x0  }
0x1d: {  	s5 =	simm.s32 @p1 $0x1;
	p0 =	seq.s32 s7, s2  }
0x1e: {  	s7 =	smul.u32 @!p0 $0xF7A, s2;
	p2 =	seq.s32 @!p0 s5, $0x0  }
0x1f: {  	s9 =	smul.u32 $0xF7A, s1;
	s8 =	simm.s32 @!p0 $0x1BF5;
	p2 =	por !p2, p0  }
0x20: {  	[sflag:s8] =	ssyncset.s32 @!p0 $0xFFFFF086;
	s6 =	sadd.s32 @!p0 s3, s7;
	s7 =	simm.s32 @!p0 $0x108  }
0x21: {  	s3 =	sadd.s32 s3, s9;
	s6 =	sadd.s32 @!p0 $0x88, s6;
	s7 =	simm.s32 @p2 $0x1082  }
0x22: {  	[simem:s7], [sflag:s8] =	dma.local @!p0 [hbm:s6], $0xF7A  }
0x23: {  	s9 =	sor.u32 $0xD0000000, s2;
	s6 =	simm.s32 $0x108;
	_ =	swait.ge @!p0 [sflag:s8], $0x0  }
0x24: {  	s3 =	sadd.s32 $0x88, s3;
	s6 =	simm.s32 @!p1 $0x1082;
	[sflag:s4] =	ssyncset.s32 $0xFFFFF086  }
0x25: {  	[simem:s6], [sflag:s4] =	dma.local [hbm:s3], $0xF7A  }
0x26: {  	[smem:$0x3F92] =	sst s1;
	(tag) =	ssettag s2;
	_ =	strace s9  }
0x27: {  	s1 =	sld [smem:$0x3FA2]  }
0x28: {  	s2 =	sld [smem:$0x3FA3]  }
0x29: {  	s4 =	sld [smem:$0x3FA5]  }
0x2a: {  	p0 =	seq.s32 s5, $0x0;
	s5 =	sld [smem:$0x3FA6]  }
0x2b: {  	s6 =	sld [smem:$0x3FA7]  }
0x2c: {  	s7 =	sld [smem:$0x3FA8]  }
0x2d: {  	s3 =	simm.s32 $0x108;
	s8 =	sld [smem:$0x3FA9]  }
0x2e: {  	s3 =	simm.s32 @!p0 $0x1082;
	s9 =	sld [smem:$0x3FAA]  }
0x2f: {  	lr =	sadd.s32 s0, s3;
	s0 =	sld [smem:$0x3FA1]  }
0x30: {  	s3 =	sld [smem:$0x3FA4]  }
0x31: {  	[smem:$0x3FAD] =	sst s10  }
0x32: {  	s10 =	sld [smem:$0x3FAB];
	_ =	sdelay $0x3  }
0x33: {  	p0 =	seq.s32 s10, $0x1;
	s10 =	sld [smem:$0x3FAD];
	_ =	sdelay $0x3  }
0x34: {  	[smem:$0x3FAD] =	sst s10  }
0x35: {  	s10 =	sld [smem:$0x3FAC];
	_ =	sdelay $0x3  }
0x36: {  	p1 =	seq.s32 s10, $0x1;
	s10 =	sld [smem:$0x3FAD];
	_ =	sdelay $0x3  }
0x37: {  	[smem:$0x3FAD] =	sst s10  }
0x38: {  	s10 =	sld [smem:$0x3FAE]  }
0x39: {  	_ = 	snop;
	(pc) =	sbr.ind lr, $3  }
0x3a: {  	_ = 	snop  }
0x3b: {  	_ = 	snop  }
0x3c: {  	p2 =	seq.s32 s10, $0x1;
	s10 =	sld [smem:$0x3FAD]  }
0x3d: {  	_ =	shalt  }
0x3e: {  	_ =	shalt  }
0x3f: {  	_ =	shalt  }
0x40: {  	_ =	shalt  }
0x41: {  	_ =	shalt  }
0x42: {  	_ =	shalt  }
0x43: {  	_ =	shalt  }
0x44: {  	_ =	shalt  }
0x45: {  	_ =	shalt  }
0x46: {  	_ =	shalt  }
0x47: {  	_ =	shalt  }
0x48: {  	_ =	shalt  }
0x49: {  	_ =	shalt  }
0x4a: {  	_ =	shalt  }
0x4b: {  	_ =	shalt  }
0x4c: {  	_ =	shalt  }
0x4d: {  	_ =	shalt  }
0x4e: {  	_ =	shalt  }
0x4f: {  	_ =	shalt  }
0x50: {  	_ =	shalt  }
0x51: {  	_ =	shalt  }
0x52: {  	_ =	shalt  }
0x53: {  	_ =	shalt  }
0x54: {  	_ =	shalt  }
0x55: {  	_ =	shalt  }
0x56: {  	_ =	shalt  }
0x57: {  	_ =	shalt  }
0x58: {  	_ =	shalt  }
0x59: {  	_ =	shalt  }
0x5a: {  	_ =	shalt  }
0x5b: {  	_ =	shalt  }
0x5c: {  	_ =	shalt  }
0x5d: {  	_ =	shalt  }
0x5e: {  	_ =	shalt  }
0x5f: {  	_ =	shalt  }
0x60: {  	_ =	shalt  }
0x61: {  	_ =	shalt  }
0x62: {  	_ =	shalt  }
0x63: {  	_ =	shalt  }
0x64: {  	_ =	shalt  }
0x65: {  	_ =	shalt  }
0x66: {  	_ =	shalt  }
0x67: {  	_ =	shalt  }
0x68: {  	_ =	shalt  }
0x69: {  	_ =	shalt  }
0x6a: {  	_ =	shalt  }
0x6b: {  	_ =	shalt  }
0x6c: {  	_ =	shalt  }
0x6d: {  	_ =	shalt  }
0x6e: {  	_ =	shalt  }
0x6f: {  	_ =	shalt  }
0x70: {  	_ =	shalt  }
0x71: {  	_ =	shalt  }
0x72: {  	_ =	shalt  }
0x73: {  	_ =	shalt  }
0x74: {  	_ =	shalt  }
0x75: {  	_ =	shalt  }
0x76: {  	_ =	shalt  }
0x77: {  	_ =	shalt  }
0x78: {  	_ =	shalt  }
0x79: {  	_ =	shalt  }
0x7a: {  	_ =	shalt  }
0x7b: {  	_ =	shalt  }
0x7c: {  	_ =	shalt  }
0x7d: {  	_ =	shalt  }
0x7e: {  	_ =	shalt  }
0x7f: {  	_ =	shalt  }
0x80: {  	_ =	shalt  }
0x81: {  	_ =	shalt  }
0x82: {  	_ =	shalt  }
0x83: {  	_ =	shalt  }
0x84: {  	_ =	shalt  }
0x85: {  	_ =	shalt  }
0x86: {  	_ =	shalt  }
0x87: {  	_ =	shalt  }
.Lfunc_end0:
.L_simem_size_0:
called_computation_lowered:
.L_overlay_start_0:
0x88: {  	s2 =	sld [smem:$0x3FD9]  }
0x89: {  	s3 =	sld [smem:$0x3FFE];
	_ =	sdelay $0x1  }
0x8a: {  	s1 =	srdreg.scid  }
0x8b: {  	s0 =	sand.u32 $0x1, s1  }
0x8c: {  	s16 =	sshll.u32 s0, $0xA;
	s2 =	sadd.s32 s3, s2  }
0x8d: {  	s2 =	sadd.s32 s2, s16  }
0x8e: {  	[smem:$0x3FB9] =	sst s2  }
0x8f: {  	_ = 	snop  }
0x90: {  	(tm) =	ssettm $0x1  }
0x91: {  	s17 =	sld [smem:$0x3FFB];
	_ =	sdelay $0x3  }
0x92: {  	_ =	strace s17  }
0x93: {  	s2 =	sld [smem:$0x3FFC];
	_ =	sdelay $0x3  }
0x94: {  	_ =	strace s2  }
0x95: {  	s2 =	sld [smem:$0x3FFD];
	_ =	sdelay $0x3  }
0x96: {  	_ =	strace s2  }
0x97: {  	_ =	strace $0x8FFFFFFF  }
0x98: {  	s18 =	sld [smem:$0x3FDB];
	_ =	sdelay $0x1  }
0x99: {  	s19 =	simm.s32 $_scs_section_size  }
0x9a: {  	s4 =	simm.s32 $_size__tile_overlayer_lowered;
	s5 =	simm.s32 $_tile_overlayer_lowered  }
0x9b: {  	s22 =	simm.s32 $0x1BFF;
	s21 =	sshll.u32 s5, $0x1;
	s2 =	sadd.s32 s19, s18  }
0x9c: {  	s6 =	simm.s32 $0x0;
	s20 =	sshll.u32 s4, $0x1;
	s4 =	sadd.s32 s21, s2  }
0x9d: {  	[timem:s6], [sflag:s22] =	dma.local [hbm:s4], s20  }
0x9e: {  	_ =	swait.ge [sflag:s22], s20  }
0x9f: {  	s3 =	ssub.s32 $0x0, s20;
	[sflag:s22] =	ssyncset.done $0x0  }
0xa0: {  	[sflag:s22] =	ssyncadd.s32 s3;
	_ =	sdelay $0x1  }
0xa1: {  	s23 =	simm.s32 $0x1B8B  }
0xa2: {  	_ =	swait.ge [sflag:s23], $0x1  }
0xa3: {  	[sflag:s23] =	ssyncset.done $0x0  }
0xa4: {  	s25 =	simm.s32 $0x1B8E;
	s24 =	sld [smem:$0x3FFE];
	[sflag:s23] =	ssyncadd.s32 $0xFFFFFFFF  }
0xa5: {  	s26 =	simm.s32 $execute0_lowered;
	[smem:$0x3FD2] =	sst s25  }
0xa6: {  	s4 =	sshll.u32 s26, $0x1;
	_ =	strace $0x80000046;
	[dreg:$0x1] =	wrdreg $0xFFFFFFFF  }
0xa7: {  	s28 =	simm.s32 $_size_execute0_lowered;
	s2 =	sadd.s32 s2, s4;
	[dreg:$0x0] =	wrdreg $0x0  }
0xa8: {  	s4 =	sshll.u32 s28, $0x1;
	[dreg:$0x2] =	wrdreg s2  }
0xa9: {  	[dreg:$0x3] =	wrdreg s4  }
0xaa: {  	[dreg:$0x4] =	wrdreg $0xC0  }
0xab: {  	_ =	task [dreg:s6], $0x5FFFF  }
0xac: {  	[dreg:$0x1] =	wrdreg $0xFFFFFFFF  }
0xad: {  	[dreg:$0x0] =	wrdreg $0x60  }
0xae: {  	[dreg:$0x2] =	wrdreg s24  }
0xaf: {  	[dreg:$0x3] =	wrdreg $0x90000  }
0xb0: {  	[dreg:$0x4] =	wrdreg $0x9  }
0xb1: {  	_ =	task.clear_ibuf [dreg:s6], $0x5FFFF;
	_ =	strace $0x90000046  }
0xb2: {  	s29 =	simm.s32 $0x9;
	_ =	strace $0x80000048  }
0xb3: {  	_ =	swait.ge [sflag:s29], $0x1  }
0xb4: {  	[sflag:s29] =	ssyncadd.s32 $0xFFFFFFFF  }
0xb5: {  	_ =	strace $0x90000048  }
0xb6: {  	_ =	sfence  }
0xb7: {  	s30 =	sld [smem:$0x0];
	_ =	sdelay $0x2  }
0xb8: {  	s31 =	sshll.u32 s1, $0xD;
	s1 =	sshrl.u32 s1, $0x2  }
0xb9: {  	s3 =	sand.u32 $0x4000, s31;
	s1 =	sadd.s32 s1, s30  }
0xba: {  	s0 =	sor.u32 s3, s0;
	s1 =	sshll.u32 s1, $0x11  }
0xbb: {  	s0 =	sor.u32 s1, s0  }
0xbc: {  	s0 =	sadd.s32 $0x8F2B, s0  }
0xbd: {  	[sflag:s0] =	ssyncadd.remote.s32 $0x1  }
0xbe: {  	_ =	sfence.sel $0xFFFF  }
0xbf: {  	[dreg:$0x0] =	wrdreg $0xFFFFFFFF;
	(pc) =	sbr.abs _section_cstart, $3  }
0xc0: {  	[dreg:$0x1] =	wrdreg $0xFFFFFFFF  }
0xc1: {  	_ =	task.clear_ibuf [dreg:s6], $0x2FFFF;
	_ =	strace $0x9FFFFFFF  }
0xc2: {  	(tm) =	ssettm $0x7FFFFFFF  }
0xc3: {  	_ =	shalt  }
tec
execute0_lowered:
.L_overlay_start_1:
0x0: {  	(tag) =	ssettag $0x1  }
0x1: {  	s1 =	srdreg.scid  }
0x2: {  	s0 =	stileid.u32;
	s6 =	rddreg [dreg:$0x0]  }
0x3: {  	s2 =	rddreg [dreg:$0x1];
	s3 =	simm.s32 $0x0;
	s14 =	simm.s32 $0x80  }
0x4: {  	s15 =	simm.s32 $0x5000;
	s16 =	simm.s32 $0x1;
	s17 =	simm.s32 $0x0  }
0x5: {  	s5 =	sand.u32 $0x1, s1;
	s29 =	sshll.u32 s0, $0x1;
	s9 =	smul.u32 $0x14000, s0  }
0x6: {  	[smem:$0x7FF] =	sst s3;
	s4 =	sadd.s32 $0x17000, s6;
	s11 =	smul.u32 $0x50000, s0  }
0x7: {  	s12 =	sshll.u32 s0, $0x6;
	s1 =	sor.u32 s5, s29;
	s8 =	smul.u32 $0x140000, s5  }
0x8: {  	s30 =	ssub.s32 $0x2, s5;
	s5 =	sadd.s32 $0x3F000, s6;
	s12 =	sor.u32 $0x1C02, s12  }
0x9: {  	s7 =	smul.u32 $0x500, s1;
	s1 =	rddreg [dreg:$0x2];
	_ =	strace $0x80000047  }
0xa: {  	s10 =	sshrl.u32 s30, $0x1;
	s31 =	sshrl.u32 s11, $0x2;
	s11 =	simm.s32 $0x2800  }
0xb: {  	s8 =	sadd.s32 s9, s8;
	s9 =	ssub.s32 s30, s10;
	s13 =	sadd.s32 s31, s2  }
0xc: {  	s10 =	simm.s32 $0x2;
	s7 =	sadd.s32 s7, s6;
	s8 =	sshrl.u32 s8, $0x3  }
0xd: {  	s9 =	smax.u32 s9, $0x1;
	s13 =	sshrl.u32 s13, $0x3;
	s8 =	sadd.s32 s8, s6  }
0xe: {  	s6 =	sadd.s32 $0x3000, s7;
	s7 =	sadd.s32 $0xD000, s7;
	s8 =	sadd.s32 $0x41800, s8  }
.LBB2_1:
0xf: {  	[tilespmem:s3], [sflag:$0x2] =	stream.linear.gather [hbm4b:s6+s3], $0x2780, $0x38;
	[tilespmem:$0x1D000] =	vst v63  }
0x10: {  	_ =	swait.ge [sflag:s10], $0x2780  }
0x11: {  	[sflag:s10] =	ssyncset.done $0x0  }
0x12: {  	[sflag:s10] =	ssyncadd.s32 $0xFFFFD880  }
0x13: {  	[tilespmem:s11], [sflag:$0x2] =	stream.linear.gather [hbm4b:s7+s3], $0x2780, $0x38;
	[tilespmem:$0x1D000] =	vst v63  }
0x14: {  	_ =	swait.ge [sflag:s10], $0x2780  }
0x15: {  	[sflag:s10] =	ssyncset.done $0x0  }
0x16: {  	[sflag:s10] =	ssyncadd.s32 $0xFFFFD880  }
0x17: {  	[spmem:s13], [sflag:s12] =	dma.local [hbm:s5], $0x2800  }
0x18: {  	_ =	swait.ge [sflag:s10], $0x2800  }
0x19: {  	[sflag:s10] =	ssyncset.done $0x0  }
0x1a: {  	[sflag:s10] =	ssyncadd.s32 $0xFFFFD800  }
0x1b: {  	s18 =	simm.s32 $0x0;
	[bflag:$0x0] =	sbarrier.arrive $0xFFFF  }
0x1c: {  	[tilespmem:s15], [sflag:$0x1] =	stream.indirect.gather [hbm4b:s4+s14], $0x80, s18, s14, $0xb8;
	[tilespmem:$0x1D000] =	vst v63  }
0x1d: {  	_ =	swait.ge [sflag:s16], $0x4000  }
0x1e: {  	[sflag:s16] =	ssyncset.done $0x0  }
0x1f: {  	s31 =	simm.s32 $0x2800;
	[sflag:s16] =	ssyncadd.s32 $0xFFFFC000  }
0x20: {  	[spmem:s2] =	stream.indirect.scatter.add.f32 [tilespmem:s15], [sflag:$0x2], $0x80, s31, s14, $0xb8;
	[tilespmem:$0x1D000] =	vst v63  }
0x21: {  	_ =	swait.ge [sflag:s10], $0x4000  }
0x22: {  	s19 =	simm.s32 $0x400;
	s18 =	simm.s32 $0x200;
	[sflag:s10] =	ssyncset.done $0x0  }
.LBB2_2:
0x23: {  	s20 =	sshra.s32 s18, $0x2  }
0x24: {  	[sflag:s10] =	ssyncadd.s32 $0xFFFFC000;
	s18 =	smov.u32 s19;
	s21 =	sadd.s32 $0x200, s19  }
0x25: {  	[tilespmem:s15], [sflag:$0x1] =	stream.indirect.gather [hbm4b:s4+s14], $0x80, s20, s14, $0xb8;
	[tilespmem:$0x1D000] =	vst v63  }
0x26: {  	p0 =	sne.s32 s19, $0x9C00;
	_ =	swait.ge [sflag:s16], $0x4000  }
.Ltmp0:
0x27: {  	[sflag:s16] =	ssyncset.done $0x0;
	(pc) =	sbr.rel @p0 .LBB2_2-.Ltmp0, $4  }
0x28: {  	s19 =	sadd.s32 $0x2800, s20;
	[sflag:s16] =	ssyncadd.s32 $0xFFFFC000  }
0x29: {  	[spmem:s2] =	stream.indirect.scatter.add.f32 [tilespmem:s15], [sflag:$0x2], $0x80, s19, s14, $0xb8;
	[tilespmem:$0x1D000] =	vst v63  }
0x2a: {  	_ =	swait.ge [sflag:s10], $0x4000  }
0x2b: {  	s19 =	smov.u32 s21;
	[sflag:s10] =	ssyncset.done $0x0  }
0x2c: {  	s18 =	sshra.s32 s18, $0x2;
	[sflag:s10] =	ssyncadd.s32 $0xFFFFC000  }
0x2d: {  	[tilespmem:s15], [sflag:$0x1] =	stream.indirect.gather [hbm4b:s4+s14], $0x80, s18, s14, $0xb8;
	[tilespmem:$0x1D000] =	vst v63  }
0x2e: {  	_ =	swait.ge [sflag:s16], $0x4000  }
0x2f: {  	[sflag:s16] =	ssyncset.done $0x0  }
0x30: {  	s18 =	sadd.s32 $0x2800, s18;
	[sflag:s16] =	ssyncadd.s32 $0xFFFFC000  }
0x31: {  	[spmem:s2] =	stream.indirect.scatter.add.f32 [tilespmem:s15], [sflag:$0x2], $0x80, s18, s14, $0xb8;
	[tilespmem:$0x1D000] =	vst v63  }
0x32: {  	_ =	swait.ge [sflag:s10], $0x4000  }
0x33: {  	s17 =	sadd.s32 $0x1, s17;
	[sflag:s10] =	ssyncset.done $0x0  }
0x34: {  	p0 =	sne.s32 s17, s9;
	[sflag:s10] =	ssyncadd.s32 $0xFFFFC000  }
.Ltmp1:
0x35: {  	[bflag:$0x0] =	sbarrier.arrive $0xFFFF;
	(pc) =	sbr.rel @p0 .LBB2_1-.Ltmp1, $4  }
0x36: {  	[hbm:s8], [sflag:s12] =	dma.local [spmem:s13], $0x2800  }
0x37: {  	_ =	swait.ge [sflag:s10], $0x2800  }
0x38: {  	[sflag:s10] =	ssyncset.done $0x0  }
0x39: {  	[sflag:s10] =	ssyncadd.s32 $0xFFFFD800  }
0x3a: {  	_ =	sfence.sel $0x180000  }
0x3b: {  	[bflag:$0x0] =	sbarrier.arrive $0xFFFF  }
0x3c: {  	p0 =	sne.s32 s0, $0x0;
	_ =	strace $0x90000047  }
0x3d: {  	s0 =	sadd.s32 @!p0 $0x100000, s1;
	[bflag:$0x2] =	sbarrier.arrive $0xFFFF  }
0x3e: {  	[sflag:s0] =	ssyncadd.tile.s32 @!p0 $0x1;
	_ =	shalt  }
.Lfunc_end2:
_tile_overlayer_lowered:
.L_overlay_start_2:
0x3f: {  	(tag) =	ssettag $0x2  }
0x40: {  	s0 =	rddreg [dreg:$0x0];
	s2 =	stileid.u32  }
0x41: {  	s1 =	rddreg [dreg:$0x1];
	p0 =	sne.s32 s2, $0x0  }
0x42: {  	s3 =	rddreg [dreg:$0x2];
	[bflag:$0x3] =	sbarrier.arrive $0xFFFF;
	s2 =	simm.s32 @!p0 $0x1C02  }
0x43: {  	[timem:s3], [sflag:s2] =	dma.local @!p0 [hbm:s0], s1  }
0x44: {  	s0 =	simm.s32 @!p0 $0x2  }
0x45: {  	_ =	swait.ge @!p0 [sflag:s0], s1  }
0x46: {  	s1 =	ssub.s32 @!p0 $0x0, s1;
	[sflag:s0] =	ssyncset.done @!p0 $0x0  }
0x47: {  	[sflag:s0] =	ssyncadd.s32 @!p0 s1  }
0x48: {  	[bflag:$0x3] =	sbarrier.arrive $0xFFFF  }
0x49: {  	_ =	shalt  }

</sc_bundles>
